<compile_context>
chip_gen: v7x
topology: tpu7x:2x2x1
jax: 0.10.2.dev20260603
libtpu: 0.0.44.dev20260713+nightly
codegen_flags: <defaults>
</compile_context>

<pallas_src>
import jax
import jax.numpy as jnp
from jax import lax
from jax.experimental import pallas as pl
from jax.experimental.pallas import tpu as pltpu
from jax.experimental.pallas import tpu_sc as plsc

_N = 10000
_E = 160000
_F = 128
_NC = 2
_NS = 16
_ACC = 10240
_TRASH = 10016

_DEG_CHUNK = 5008
_DEG_TOT = _DEG_CHUNK * _NC * _NS

_KJ = 79
_PE_TOT = _NS * _KJ * 128

_ROWS_PER_TILE = _N // _NS
_INIT_CHUNK = 125

_sc_mesh = plsc.VectorSubcoreMesh(
    core_axis_name="c", subcore_axis_name="s", num_cores=_NC, num_subcores=_NS
)


def _deg_body(dst_hbm, deg_out, idx_v, hist_v):
    cid = lax.axis_index("c")
    sid = lax.axis_index("s")
    wid = sid * _NC + cid

    zeros16 = jnp.zeros((16,), jnp.float32)

    def zbody(i, carry):
        hist_v[pl.ds(i * 16, 16)] = zeros16
        return carry

    lax.fori_loop(0, _ACC // 16, zbody, 0)

    pltpu.sync_copy(dst_hbm.at[pl.ds(wid * _DEG_CHUNK, _DEG_CHUNK)], idx_v)
    ones16 = jnp.full((16,), 1.0, jnp.float32)

    def sbody(k, carry):
        idx = idx_v[pl.ds(k * 16, 16)]
        plsc.addupdate_scatter(hist_v, [idx], ones16)
        return carry

    lax.fori_loop(0, _DEG_CHUNK // 16, sbody, 0)

    pltpu.sync_copy(hist_v, deg_out.at[wid])


_deg_kernel = pl.kernel(
    _deg_body,
    out_type=jax.ShapeDtypeStruct((_NC * _NS, _ACC), jnp.float32),
    mesh=_sc_mesh,
    scratch_types=[
        pltpu.VMEM((_DEG_CHUNK,), jnp.int32),
        pltpu.VMEM((_ACC,), jnp.float32),
    ],
    compiler_params=pltpu.CompilerParams(
        needs_layout_passes=False, use_tc_tiling_on_sc=False),
)


def _prop_body(h0, h1, src_hbm, dst_hbm, out0, out1, src_v, dst_v,
               rows0, acc, gsem0):
    cid = lax.axis_index("c")
    sid = lax.axis_index("s")
    base = sid * _ROWS_PER_TILE

    def impl(h_hbm, out_hbm):
        i0 = pltpu.async_copy(h_hbm.at[pl.ds(base, _ROWS_PER_TILE)],
                              acc.at[pl.ds(base, _ROWS_PER_TILE)], gsem0)
        pltpu.sync_copy(src_hbm.at[sid], src_v)
        pltpu.sync_copy(dst_hbm.at[sid], dst_v)
        i0.wait()
        plsc.subcore_barrier()


        def ebody(j, carry):
            pltpu.async_copy(h_hbm.at[src_v.at[j]], rows0, gsem0).wait()
            pltpu.sync_copy(rows0, acc.at[dst_v.at[j]], add=True)
            return carry

        lax.fori_loop(0, _KJ, ebody, 0)
        plsc.subcore_barrier()

        pltpu.sync_copy(acc.at[pl.ds(base, _ROWS_PER_TILE)],
                        out_hbm.at[pl.ds(base, _ROWS_PER_TILE)])

    @pl.when(cid == 0)
    def _():
        impl(h0, out0)

    @pl.when(cid == 1)
    def _():
        impl(h1, out1)


_prop_kernel = pl.kernel(
    _prop_body,
    out_type=(
        jax.ShapeDtypeStruct((_N, _F), jnp.float32),
        jax.ShapeDtypeStruct((_N, _F), jnp.float32),
    ),
    mesh=_sc_mesh,
    scratch_types=[
        pltpu.VMEM((_KJ, 128), jnp.int32),
        pltpu.VMEM((_KJ, 128), jnp.int32),
        pltpu.VMEM((128, _F), jnp.float32),
        pltpu.VMEM_SHARED((_ACC, _F), jnp.float32),
        pltpu.SemaphoreType.DMA,
    ],
    compiler_params=pltpu.CompilerParams(
        needs_layout_passes=False, use_tc_tiling_on_sc=False),
)


_BLK = 1000


def _scale_split_body(deg_ref, x_ref, dinv_ref, g0_ref, g1_ref):
    deg = jnp.sum(deg_ref[...], axis=0)[: _N] + 1.0
    dv = lax.rsqrt(deg)
    dv2 = dv[:, None]
    dinv_ref[...] = dv2
    g = x_ref[...] * dv2
    g0_ref[...] = g[:, :_F]
    g1_ref[...] = g[:, _F:]


_scale_split = pl.pallas_call(
    _scale_split_body,
    out_shape=(
        jax.ShapeDtypeStruct((_N, 1), jnp.float32),
        jax.ShapeDtypeStruct((_N, _F), jnp.float32),
        jax.ShapeDtypeStruct((_N, _F), jnp.float32),
    ),
)


def _mlp_body(s0_ref, s1_ref, dinv_ref, wm1_ref, bm1_ref,
              wl1_ref, bl1_ref, wm2_ref, wl2_ref, c0_ref, c1_ref):
    dv = dinv_ref[...]
    h0 = s0_ref[...] * dv
    h1 = s1_ref[...] * dv
    wm1 = wm1_ref[...]
    mu1 = jnp.maximum(
        jnp.dot(h0, wm1[:_F, :]) + jnp.dot(h1, wm1[_F:, :]) + bm1_ref[...], 0.0)
    wl1 = wl1_ref[...]
    lv1 = jnp.maximum(
        jnp.dot(h0, wl1[:_F, :]) + jnp.dot(h1, wl1[_F:, :]) + bl1_ref[...], 0.0)
    c0_ref[...] = jnp.dot(mu1, wm2_ref[...]) * dv
    c1_ref[...] = jnp.dot(lv1, wl2_ref[...]) * dv


_mlp = pl.pallas_call(
    _mlp_body,
    grid=(_N // _BLK,),
    in_specs=[
        pl.BlockSpec((_BLK, _F), lambda i: (i, 0)),
        pl.BlockSpec((_BLK, _F), lambda i: (i, 0)),
        pl.BlockSpec((_BLK, 1), lambda i: (i, 0)),
        pl.BlockSpec((2 * _F, 2 * _F), lambda i: (0, 0)),
        pl.BlockSpec((2 * _F,), lambda i: (0,)),
        pl.BlockSpec((2 * _F, 2 * _F), lambda i: (0, 0)),
        pl.BlockSpec((2 * _F,), lambda i: (0,)),
        pl.BlockSpec((2 * _F, _F), lambda i: (0, 0)),
        pl.BlockSpec((2 * _F, _F), lambda i: (0, 0)),
    ],
    out_specs=(
        pl.BlockSpec((_BLK, _F), lambda i: (i, 0)),
        pl.BlockSpec((_BLK, _F), lambda i: (i, 0)),
    ),
    out_shape=(
        jax.ShapeDtypeStruct((_N, _F), jnp.float32),
        jax.ShapeDtypeStruct((_N, _F), jnp.float32),
    ),
)


def _final_body(t0_ref, t1_ref, dinv_ref, bm2_ref, bl2_ref,
                eps_ref, z_ref, mu_ref, lv_ref):
    dv = dinv_ref[...]
    mu = t0_ref[...] * dv + bm2_ref[...]
    logvar = t1_ref[...] * dv + bl2_ref[...]
    std = jnp.exp(0.5 * logvar)
    mu_ref[...] = mu
    lv_ref[...] = logvar
    z_ref[...] = mu + eps_ref[...] * std


_final = pl.pallas_call(
    _final_body,
    grid=(_N // _BLK,),
    in_specs=[
        pl.BlockSpec((_BLK, _F), lambda i: (i, 0)),
        pl.BlockSpec((_BLK, _F), lambda i: (i, 0)),
        pl.BlockSpec((_BLK, 1), lambda i: (i, 0)),
        pl.BlockSpec((_F,), lambda i: (0,)),
        pl.BlockSpec((_F,), lambda i: (0,)),
        pl.BlockSpec((_BLK, _F), lambda i: (i, 0)),
    ],
    out_specs=(
        pl.BlockSpec((_BLK, _F), lambda i: (i, 0)),
        pl.BlockSpec((_BLK, _F), lambda i: (i, 0)),
        pl.BlockSpec((_BLK, _F), lambda i: (i, 0)),
    ),
    out_shape=(
        jax.ShapeDtypeStruct((_N, _F), jnp.float32),
        jax.ShapeDtypeStruct((_N, _F), jnp.float32),
        jax.ShapeDtypeStruct((_N, _F), jnp.float32),
    ),
)


def kernel(x, edge_index, W_mu1, b_mu1, W_mu2, b_mu2, W_lv1, b_lv1, W_lv2, b_lv2):
    src = edge_index[0]
    dst = edge_index[1]
    pad_deg = _N + (jnp.arange(_DEG_TOT - _E, dtype=jnp.int32) % (_ACC - _N))
    pad_p = _N + (jnp.arange(_PE_TOT - _E, dtype=jnp.int32) % (_ACC - _N))
    dst_deg = jnp.concatenate([dst, pad_deg])
    src_p = jnp.concatenate(
        [src, jnp.zeros((_PE_TOT - _E,), jnp.int32)]).reshape(_NS, _KJ, 128)
    dst_p = jnp.concatenate([dst, pad_p]).reshape(_NS, _KJ, 128)

    deg2 = _deg_kernel(dst_deg)
    dinv, g0, g1 = _scale_split(deg2, x)
    s0, s1 = _prop_kernel(g0, g1, src_p, dst_p)
    c0, c1 = _mlp(s0, s1, dinv, W_mu1, b_mu1, W_lv1, b_lv1, W_mu2, W_lv2)
    t0, t1 = _prop_kernel(c0, c1, src_p, dst_p)
    eps = jax.random.normal(jax.random.key(42), (_N, _F), jnp.float32)
    z, mu, logvar = _final(t0, t1, dinv, b_mu2, b_lv2, eps)
    return (z, mu, logvar)

# --- scband reference (transcript-rebuilt; emitter-appended) ---
"""Pipeline reference for scband-graph-encoder-16681652978192 (READ-ONLY COPY).

The authoritative reference and input builder live on the scoring server;
editing this copy changes nothing except your own understanding.
"""

import jax, jax.numpy as jnp
import numpy as np

N = 10000
E = 160000
IN_DIM = 256
HIDDEN = 256
OUT = 128


def setup_inputs(seed: int = 0) -> dict:
    key = jax.random.key(seed)
    ks = jax.random.split(key, 12)
    x = jax.random.normal(ks[0], (N, IN_DIM), dtype=jnp.float32)
    edge_index = jax.random.randint(ks[1], (2, E), 0, N, dtype=jnp.int32)
    def glorot(k, fan_in, fan_out):
        limit = float(np.sqrt(6.0 / (fan_in + fan_out)))
        return jax.random.uniform(k, (fan_in, fan_out), dtype=jnp.float32, minval=-limit, maxval=limit)
    return {
        "x": x,
        "edge_index": edge_index,
        "W_mu1": glorot(ks[2], IN_DIM, HIDDEN),
        "b_mu1": jnp.zeros((HIDDEN,), dtype=jnp.float32),
        "W_mu2": glorot(ks[3], HIDDEN, OUT),
        "b_mu2": jnp.zeros((OUT,), dtype=jnp.float32),
        "W_lv1": glorot(ks[4], IN_DIM, HIDDEN),
        "b_lv1": jnp.zeros((HIDDEN,), dtype=jnp.float32),
        "W_lv2": glorot(ks[5], HIDDEN, OUT),
        "b_lv2": jnp.zeros((OUT,), dtype=jnp.float32),
    }


def reference(x, edge_index, W_mu1, b_mu1, W_mu2, b_mu2, W_lv1, b_lv1, W_lv2, b_lv2):
    n = x.shape[0]
    loops = jnp.arange(n, dtype=edge_index.dtype)
    src = jnp.concatenate([edge_index[0], loops])
    dst = jnp.concatenate([edge_index[1], loops])
    # symmetric GCN normalization (self-loops included, so deg >= 1)
    deg = jnp.zeros((n,), dtype=jnp.float32).at[dst].add(1.0)
    dinv = jax.lax.rsqrt(deg)
    norm = dinv[src] * dinv[dst]

    def gcn_conv(h, W, b):
        hw = h @ W
        msg = jnp.take(hw, src, axis=0) * norm[:, None]
        out = jnp.zeros((n, W.shape[1]), dtype=hw.dtype).at[dst].add(msg)
        return out + b

    mu = jax.nn.relu(gcn_conv(x, W_mu1, b_mu1))
    mu = gcn_conv(mu, W_mu2, b_mu2)
    logvar = jax.nn.relu(gcn_conv(x, W_lv1, b_lv1))
    logvar = gcn_conv(logvar, W_lv2, b_lv2)
    std = jnp.exp(0.5 * logvar)
    eps = jax.random.normal(jax.random.key(42), std.shape, dtype=std.dtype)
    z = mu + eps * std
    return (z, mu, logvar)

if __name__ == "__main__":
    import jax
    _d = setup_inputs()
    print(jax.jit(kernel)(*tuple(_d.values())))

</pallas_src>

<mosaic_0001>
#map = affine_map<(d0, d1) -> (0)>
#map1 = affine_map<(d0, d1) -> (0, 0)>
module attributes {stable_mosaic.version = 14 : i64} {
  func.func @_deg_body(%arg0: i32, %arg1: i32, %arg2: memref<160256xi32, #tpu.memory_space<hbm>>, %arg3: memref<32x10240xf32, #tpu.memory_space<hbm>>, %arg4: memref<5008xi32, #tpu.memory_space<vmem>>, %arg5: memref<10240xf32, #tpu.memory_space<vmem>>) attributes {dimension_semantics = [#tpu.dimension_semantics<core_parallel>, #tpu.dimension_semantics<subcore_parallel>], iteration_bounds = array<i64: 2, 16>, scalar_prefetch = 0 : i64, scratch_operands = 2 : i64, tpu.core_type = #tpu.core_type<sc_vector_subcore>, window_params = [{transform_indices = #map}, {transform_indices = #map1}]} {
    %mul3A = arith.constant 2 : i32
    %mul3A_0 = arith.muli %arg1, %mul3A : i32
    %add3A = arith.addi %mul3A_0, %arg0 : i32
    %broadcast_in_dim3A = arith.constant 0.000000e+00 : f32
    %broadcast_in_dim3A_1 = vector.broadcast %broadcast_in_dim3A : f32 to vector<16xf32>
    %scan3A = arith.constant 0 : i32
    %scan3A_2 = arith.constant 0 : i32
    %scan3A_3 = arith.constant 640 : i32
    %scan3A_4 = arith.addi %scan3A_2, %scan3A_3 : i32
    %scan3A_5 = arith.constant 1 : i32
    scf.for %scan3A_17 = %scan3A_2 to %scan3A_4 step %scan3A_5  : i32 {
      %mul3A_18 = arith.constant 16 : i32
      %mul3A_19 = arith.muli %scan3A_17, %mul3A_18 : i32
      %swap3A = arith.index_cast %mul3A_19 : i32 to index
      %swap3A_20 = tpu.vector_load %arg5[%swap3A] {strides = array<i32>} : memref<10240xf32, #tpu.memory_space<vmem>>, vector<16xf32>,
      tpu.vector_store %arg5[%swap3A], %broadcast_in_dim3A_1 {strides = array<i32>} : memref<10240xf32, #tpu.memory_space<vmem>>, vector<16xf32>,
    }
    %scan3A_6 = arith.constant 640 : i32
    %mul3A_7 = arith.constant 5008 : i32
    %mul3A_8 = arith.muli %add3A, %mul3A_7 : i32
    "tpu.region"() ({
      %run_scoped3A = tpu.sem_alloc : memref<!tpu.dma_semaphore, #tpu.memory_space<semaphore_mem>>
      %dma_start3A = tpu.memref_slice %arg2[%mul3A_8] : memref<160256xi32, #tpu.memory_space<hbm>> -> memref<5008xi32, #tpu.memory_space<hbm>>
      %dma_start3A_17 = tpu.memref_slice %arg2[%mul3A_8] : memref<160256xi32, #tpu.memory_space<hbm>> -> memref<5008xi32, #tpu.memory_space<hbm>>
      tpu.enqueue_dma source(%dma_start3A_17 : memref<5008xi32, #tpu.memory_space<hbm>>) target(%arg4 : memref<5008xi32, #tpu.memory_space<vmem>>) target_semaphore(%run_scoped3A : memref<!tpu.dma_semaphore, #tpu.memory_space<semaphore_mem>>)
      %dma_wait3A = tpu.memref_slice %arg2[%mul3A_8] : memref<160256xi32, #tpu.memory_space<hbm>> -> memref<5008xi32, #tpu.memory_space<hbm>>
      %dma_wait3A_18 = tpu.memref_slice %arg2[%mul3A_8] : memref<160256xi32, #tpu.memory_space<hbm>> -> memref<5008xi32, #tpu.memory_space<hbm>>
      tpu.wait_dma2 semaphore(%run_scoped3A : memref<!tpu.dma_semaphore, #tpu.memory_space<semaphore_mem>>) src(%dma_wait3A_18 : memref<5008xi32, #tpu.memory_space<hbm>>) dst(%arg4 : memref<5008xi32, #tpu.memory_space<vmem>>)
      tpu.yield
    }) : () -> ()
    %broadcast_in_dim3A_9 = arith.constant 1.000000e+00 : f32
    %broadcast_in_dim3A_10 = vector.broadcast %broadcast_in_dim3A_9 : f32 to vector<16xf32>
    %scan3A_11 = arith.constant 0 : i32
    %scan3A_12 = arith.constant 0 : i32
    %scan3A_13 = arith.constant 313 : i32
    %scan3A_14 = arith.addi %scan3A_12, %scan3A_13 : i32
    %scan3A_15 = arith.constant 1 : i32
    scf.for %scan3A_17 = %scan3A_12 to %scan3A_14 step %scan3A_15  : i32 {
      %mul3A_18 = arith.constant 16 : i32
      %mul3A_19 = arith.muli %scan3A_17, %mul3A_18 : i32
      %get3A = arith.index_cast %mul3A_19 : i32 to index
      %get3A_20 = tpu.vector_load %arg4[%get3A] {strides = array<i32>} : memref<5008xi32, #tpu.memory_space<vmem>>, vector<16xi32>,
      tpu.vector_store_idx %arg5[%get3A_20], %broadcast_in_dim3A_10 {add = true} : memref<10240xf32, #tpu.memory_space<vmem>>[vector<16xi32>], vector<16xf32>,
    }
    %scan3A_16 = arith.constant 313 : i32
    "tpu.region"() ({
      %run_scoped3A = tpu.sem_alloc : memref<!tpu.dma_semaphore, #tpu.memory_space<semaphore_mem>>
      %dma_start3A = arith.constant 0 : i32
      %dma_start3A_17 = tpu.memref_slice %arg3[%add3A, %dma_start3A] : memref<32x10240xf32, #tpu.memory_space<hbm>> -> memref<1x10240xf32, #tpu.memory_space<hbm>>
      %dma_start3A_18 = tpu.memref_squeeze %dma_start3A_17 : memref<1x10240xf32, #tpu.memory_space<hbm>> -> memref<10240xf32, #tpu.memory_space<hbm>>
      %dma_start3A_19 = arith.constant 0 : i32
      %dma_start3A_20 = tpu.memref_slice %arg3[%add3A, %dma_start3A_19] : memref<32x10240xf32, #tpu.memory_space<hbm>> -> memref<1x10240xf32, #tpu.memory_space<hbm>>
      %dma_start3A_21 = tpu.memref_squeeze %dma_start3A_20 : memref<1x10240xf32, #tpu.memory_space<hbm>> -> memref<10240xf32, #tpu.memory_space<hbm>>
      tpu.enqueue_dma source(%arg5 : memref<10240xf32, #tpu.memory_space<vmem>>) target(%dma_start3A_21 : memref<10240xf32, #tpu.memory_space<hbm>>) target_semaphore(%run_scoped3A : memref<!tpu.dma_semaphore, #tpu.memory_space<semaphore_mem>>)
      %dma_wait3A = arith.constant 0 : i32
      %dma_wait3A_22 = tpu.memref_slice %arg3[%add3A, %dma_wait3A] : memref<32x10240xf32, #tpu.memory_space<hbm>> -> memref<1x10240xf32, #tpu.memory_space<hbm>>
      %dma_wait3A_23 = tpu.memref_squeeze %dma_wait3A_22 : memref<1x10240xf32, #tpu.memory_space<hbm>> -> memref<10240xf32, #tpu.memory_space<hbm>>
      %dma_wait3A_24 = arith.constant 0 : i32
      %dma_wait3A_25 = tpu.memref_slice %arg3[%add3A, %dma_wait3A_24] : memref<32x10240xf32, #tpu.memory_space<hbm>> -> memref<1x10240xf32, #tpu.memory_space<hbm>>
      %dma_wait3A_26 = tpu.memref_squeeze %dma_wait3A_25 : memref<1x10240xf32, #tpu.memory_space<hbm>> -> memref<10240xf32, #tpu.memory_space<hbm>>
      tpu.wait_dma2 semaphore(%run_scoped3A : memref<!tpu.dma_semaphore, #tpu.memory_space<semaphore_mem>>) src(%arg5 : memref<10240xf32, #tpu.memory_space<vmem>>) dst(%dma_wait3A_26 : memref<10240xf32, #tpu.memory_space<hbm>>)
      tpu.yield
    }) : () -> ()
    return
  }
}

#map = affine_map<(d0, d1) -> (0, 0)>
#map1 = affine_map<(d0, d1) -> (0, 0, 0)>
module attributes {stable_mosaic.version = 14 : i64} {
  func.func @_prop_body(%arg0: i32, %arg1: i32, %arg2: memref<10000x128xf32, #tpu.memory_space<hbm>>, %arg3: memref<10000x128xf32, #tpu.memory_space<hbm>>, %arg4: memref<16x79x128xi32, #tpu.memory_space<hbm>>, %arg5: memref<16x79x128xi32, #tpu.memory_space<hbm>>, %arg6: memref<10000x128xf32, #tpu.memory_space<hbm>>, %arg7: memref<10000x128xf32, #tpu.memory_space<hbm>>, %arg8: memref<79x128xi32, #tpu.memory_space<vmem>>, %arg9: memref<79x128xi32, #tpu.memory_space<vmem>>, %arg10: memref<128x128xf32, #tpu.memory_space<vmem>>, %arg11: memref<10240x128xf32, #tpu.memory_space<vmem_shared>>, %arg12: memref<!tpu.dma_semaphore, #tpu.memory_space<semaphore_mem>>) attributes {dimension_semantics = [#tpu.dimension_semantics<core_parallel>, #tpu.dimension_semantics<subcore_parallel>], iteration_bounds = array<i64: 2, 16>, scalar_prefetch = 0 : i64, scratch_operands = 5 : i64, tpu.core_type = #tpu.core_type<sc_vector_subcore>, window_params = [{transform_indices = #map}, {transform_indices = #map}, {transform_indices = #map1}, {transform_indices = #map1}, {transform_indices = #map}, {transform_indices = #map}]} {
    %mul3A = arith.constant 625 : i32
    %mul3A_0 = arith.muli %arg1, %mul3A : i32
    %eq3A = arith.constant 0 : i32
    %eq3A_1 = arith.cmpi eq, %arg0, %eq3A : i32
    %convert_element_type3A = arith.extui %eq3A_1 : i1 to i32
    %cond3A = arith.constant 0 : i32
    %cond3A_2 = arith.cmpi ne, %convert_element_type3A, %cond3A : i32
    scf.if %cond3A_2 {
      %dma_start3A = arith.constant 0 : i32
      %dma_start3A_8 = tpu.memref_slice %arg11[%mul3A_0, %dma_start3A] : memref<10240x128xf32, #tpu.memory_space<vmem_shared>> -> memref<625x128xf32, #tpu.memory_space<vmem_shared>>
      %dma_start3A_9 = arith.constant 0 : i32
      %dma_start3A_10 = tpu.memref_slice %arg2[%mul3A_0, %dma_start3A_9] : memref<10000x128xf32, #tpu.memory_space<hbm>> -> memref<625x128xf32, #tpu.memory_space<hbm>>
      tpu.enqueue_dma source(%dma_start3A_10 : memref<625x128xf32, #tpu.memory_space<hbm>>) target(%dma_start3A_8 : memref<625x128xf32, #tpu.memory_space<vmem_shared>>) target_semaphore(%arg12 : memref<!tpu.dma_semaphore, #tpu.memory_space<semaphore_mem>>)
      "tpu.region"() ({
        %run_scoped3A = tpu.sem_alloc : memref<!tpu.dma_semaphore, #tpu.memory_space<semaphore_mem>>
        %dma_start3A_20 = arith.constant 0 : i32
        %dma_start3A_21 = arith.constant 0 : i32
        %dma_start3A_22 = tpu.memref_slice %arg4[%arg1, %dma_start3A_20, %dma_start3A_21] : memref<16x79x128xi32, #tpu.memory_space<hbm>> -> memref<1x79x128xi32, #tpu.memory_space<hbm>>
        %dma_start3A_23 = tpu.memref_squeeze %dma_start3A_22 : memref<1x79x128xi32, #tpu.memory_space<hbm>> -> memref<79x128xi32, #tpu.memory_space<hbm>>
        %dma_start3A_24 = arith.constant 0 : i32
        %dma_start3A_25 = arith.constant 0 : i32
        %dma_start3A_26 = tpu.memref_slice %arg4[%arg1, %dma_start3A_24, %dma_start3A_25] : memref<16x79x128xi32, #tpu.memory_space<hbm>> -> memref<1x79x128xi32, #tpu.memory_space<hbm>>
        %dma_start3A_27 = tpu.memref_squeeze %dma_start3A_26 : memref<1x79x128xi32, #tpu.memory_space<hbm>> -> memref<79x128xi32, #tpu.memory_space<hbm>>
        tpu.enqueue_dma source(%dma_start3A_27 : memref<79x128xi32, #tpu.memory_space<hbm>>) target(%arg8 : memref<79x128xi32, #tpu.memory_space<vmem>>) target_semaphore(%run_scoped3A : memref<!tpu.dma_semaphore, #tpu.memory_space<semaphore_mem>>)
        %dma_wait3A_28 = arith.constant 0 : i32
        %dma_wait3A_29 = arith.constant 0 : i32
        %dma_wait3A_30 = tpu.memref_slice %arg4[%arg1, %dma_wait3A_28, %dma_wait3A_29] : memref<16x79x128xi32, #tpu.memory_space<hbm>> -> memref<1x79x128xi32, #tpu.memory_space<hbm>>
        %dma_wait3A_31 = tpu.memref_squeeze %dma_wait3A_30 : memref<1x79x128xi32, #tpu.memory_space<hbm>> -> memref<79x128xi32, #tpu.memory_space<hbm>>
        %dma_wait3A_32 = arith.constant 0 : i32
        %dma_wait3A_33 = arith.constant 0 : i32
        %dma_wait3A_34 = tpu.memref_slice %arg4[%arg1, %dma_wait3A_32, %dma_wait3A_33] : memref<16x79x128xi32, #tpu.memory_space<hbm>> -> memref<1x79x128xi32, #tpu.memory_space<hbm>>
        %dma_wait3A_35 = tpu.memref_squeeze %dma_wait3A_34 : memref<1x79x128xi32, #tpu.memory_space<hbm>> -> memref<79x128xi32, #tpu.memory_space<hbm>>
        tpu.wait_dma2 semaphore(%run_scoped3A : memref<!tpu.dma_semaphore, #tpu.memory_space<semaphore_mem>>) src(%dma_wait3A_35 : memref<79x128xi32, #tpu.memory_space<hbm>>) dst(%arg8 : memref<79x128xi32, #tpu.memory_space<vmem>>)
        tpu.yield
      }) : () -> ()
      "tpu.region"() ({
        %run_scoped3A = tpu.sem_alloc : memref<!tpu.dma_semaphore, #tpu.memory_space<semaphore_mem>>
        %dma_start3A_20 = arith.constant 0 : i32
        %dma_start3A_21 = arith.constant 0 : i32
        %dma_start3A_22 = tpu.memref_slice %arg5[%arg1, %dma_start3A_20, %dma_start3A_21] : memref<16x79x128xi32, #tpu.memory_space<hbm>> -> memref<1x79x128xi32, #tpu.memory_space<hbm>>
        %dma_start3A_23 = tpu.memref_squeeze %dma_start3A_22 : memref<1x79x128xi32, #tpu.memory_space<hbm>> -> memref<79x128xi32, #tpu.memory_space<hbm>>
        %dma_start3A_24 = arith.constant 0 : i32
        %dma_start3A_25 = arith.constant 0 : i32
        %dma_start3A_26 = tpu.memref_slice %arg5[%arg1, %dma_start3A_24, %dma_start3A_25] : memref<16x79x128xi32, #tpu.memory_space<hbm>> -> memref<1x79x128xi32, #tpu.memory_space<hbm>>
        %dma_start3A_27 = tpu.memref_squeeze %dma_start3A_26 : memref<1x79x128xi32, #tpu.memory_space<hbm>> -> memref<79x128xi32, #tpu.memory_space<hbm>>
        tpu.enqueue_dma source(%dma_start3A_27 : memref<79x128xi32, #tpu.memory_space<hbm>>) target(%arg9 : memref<79x128xi32, #tpu.memory_space<vmem>>) target_semaphore(%run_scoped3A : memref<!tpu.dma_semaphore, #tpu.memory_space<semaphore_mem>>)
        %dma_wait3A_28 = arith.constant 0 : i32
        %dma_wait3A_29 = arith.constant 0 : i32
        %dma_wait3A_30 = tpu.memref_slice %arg5[%arg1, %dma_wait3A_28, %dma_wait3A_29] : memref<16x79x128xi32, #tpu.memory_space<hbm>> -> memref<1x79x128xi32, #tpu.memory_space<hbm>>
        %dma_wait3A_31 = tpu.memref_squeeze %dma_wait3A_30 : memref<1x79x128xi32, #tpu.memory_space<hbm>> -> memref<79x128xi32, #tpu.memory_space<hbm>>
        %dma_wait3A_32 = arith.constant 0 : i32
        %dma_wait3A_33 = arith.constant 0 : i32
        %dma_wait3A_34 = tpu.memref_slice %arg5[%arg1, %dma_wait3A_32, %dma_wait3A_33] : memref<16x79x128xi32, #tpu.memory_space<hbm>> -> memref<1x79x128xi32, #tpu.memory_space<hbm>>
        %dma_wait3A_35 = tpu.memref_squeeze %dma_wait3A_34 : memref<1x79x128xi32, #tpu.memory_space<hbm>> -> memref<79x128xi32, #tpu.memory_space<hbm>>
        tpu.wait_dma2 semaphore(%run_scoped3A : memref<!tpu.dma_semaphore, #tpu.memory_space<semaphore_mem>>) src(%dma_wait3A_35 : memref<79x128xi32, #tpu.memory_space<hbm>>) dst(%arg9 : memref<79x128xi32, #tpu.memory_space<vmem>>)
        tpu.yield
      }) : () -> ()
      %dma_wait3A = arith.constant 0 : i32
      %dma_wait3A_11 = tpu.memref_slice %arg11[%mul3A_0, %dma_wait3A] : memref<10240x128xf32, #tpu.memory_space<vmem_shared>> -> memref<625x128xf32, #tpu.memory_space<vmem_shared>>
      %dma_wait3A_12 = arith.constant 0 : i32
      %dma_wait3A_13 = tpu.memref_slice %arg2[%mul3A_0, %dma_wait3A_12] : memref<10000x128xf32, #tpu.memory_space<hbm>> -> memref<625x128xf32, #tpu.memory_space<hbm>>
      tpu.wait_dma2 semaphore(%arg12 : memref<!tpu.dma_semaphore, #tpu.memory_space<semaphore_mem>>) src(%dma_wait3A_13 : memref<625x128xf32, #tpu.memory_space<hbm>>) dst(%dma_wait3A_11 : memref<625x128xf32, #tpu.memory_space<vmem_shared>>)
      %barrier3A = arith.constant 0 : index
      tpu.barrier barrier_id(%barrier3A)
      %scan3A = arith.constant 0 : i32
      %scan3A_14 = arith.constant 0 : i32
      %scan3A_15 = arith.constant 79 : i32
      %scan3A_16 = arith.addi %scan3A_14, %scan3A_15 : i32
      %scan3A_17 = arith.constant 1 : i32
      scf.for %scan3A_20 = %scan3A_14 to %scan3A_16 step %scan3A_17  : i32 {
        %dma_start3A_21 = arith.constant 0 : i32
        %dma_start3A_22 = tpu.memref_slice %arg8[%scan3A_20, %dma_start3A_21] : memref<79x128xi32, #tpu.memory_space<vmem>> -> memref<1x128xi32, #tpu.memory_space<vmem>>
        %dma_start3A_23 = tpu.memref_squeeze %dma_start3A_22 : memref<1x128xi32, #tpu.memory_space<vmem>> -> memref<128xi32, #tpu.memory_space<vmem>>
        %dma_start3A_24 = arith.constant 0 : i32
        %dma_start3A_25 = arith.constant 0 : i32
        %dma_start3A_26 = tpu.memref_slice %arg2[%dma_start3A_24, %dma_start3A_25] : memref<10000x128xf32, #tpu.memory_space<hbm>> -> memref<10000x128xf32, #tpu.memory_space<hbm>>
        tpu.enqueue_indirect_dma source(%dma_start3A_26 : memref<10000x128xf32, #tpu.memory_space<hbm>>) target(%arg10 : memref<128x128xf32, #tpu.memory_space<vmem>>) offsets(%dma_start3A_23 : memref<128xi32, #tpu.memory_space<vmem>>) semaphore(%arg12 : memref<!tpu.dma_semaphore, #tpu.memory_space<semaphore_mem>>)
        %dma_wait3A_27 = arith.constant 0 : i32
        %dma_wait3A_28 = tpu.memref_slice %arg8[%scan3A_20, %dma_wait3A_27] : memref<79x128xi32, #tpu.memory_space<vmem>> -> memref<1x128xi32, #tpu.memory_space<vmem>>
        %dma_wait3A_29 = tpu.memref_squeeze %dma_wait3A_28 : memref<1x128xi32, #tpu.memory_space<vmem>> -> memref<128xi32, #tpu.memory_space<vmem>>
        %dma_wait3A_30 = arith.constant 0 : i32
        %dma_wait3A_31 = arith.constant 0 : i32
        %dma_wait3A_32 = tpu.memref_slice %arg2[%dma_wait3A_30, %dma_wait3A_31] : memref<10000x128xf32, #tpu.memory_space<hbm>> -> memref<10000x128xf32, #tpu.memory_space<hbm>>
        tpu.wait_indirect_dma semaphore(%arg12 : memref<!tpu.dma_semaphore, #tpu.memory_space<semaphore_mem>>) src(%dma_wait3A_32 : memref<10000x128xf32, #tpu.memory_space<hbm>>) dst(%arg10 : memref<128x128xf32, #tpu.memory_space<vmem>>)
        "tpu.region"() ({
          %run_scoped3A = tpu.sem_alloc : memref<!tpu.dma_semaphore, #tpu.memory_space<semaphore_mem>>
          %dma_start3A_33 = arith.constant 0 : i32
          %dma_start3A_34 = tpu.memref_slice %arg9[%scan3A_20, %dma_start3A_33] : memref<79x128xi32, #tpu.memory_space<vmem>> -> memref<1x128xi32, #tpu.memory_space<vmem>>
          %dma_start3A_35 = tpu.memref_squeeze %dma_start3A_34 : memref<1x128xi32, #tpu.memory_space<vmem>> -> memref<128xi32, #tpu.memory_space<vmem>>
          %dma_start3A_36 = arith.constant 0 : i32
          %dma_start3A_37 = arith.constant 0 : i32
          %dma_start3A_38 = tpu.memref_slice %arg11[%dma_start3A_36, %dma_start3A_37] : memref<10240x128xf32, #tpu.memory_space<vmem_shared>> -> memref<10240x128xf32, #tpu.memory_space<vmem_shared>>
          tpu.enqueue_indirect_dma source(%arg10 : memref<128x128xf32, #tpu.memory_space<vmem>>) target(%dma_start3A_38 : memref<10240x128xf32, #tpu.memory_space<vmem_shared>>) offsets(%dma_start3A_35 : memref<128xi32, #tpu.memory_space<vmem>>) semaphore(%run_scoped3A : memref<!tpu.dma_semaphore, #tpu.memory_space<semaphore_mem>>) {add = true}
          %dma_wait3A_39 = arith.constant 0 : i32
          %dma_wait3A_40 = tpu.memref_slice %arg9[%scan3A_20, %dma_wait3A_39] : memref<79x128xi32, #tpu.memory_space<vmem>> -> memref<1x128xi32, #tpu.memory_space<vmem>>
          %dma_wait3A_41 = tpu.memref_squeeze %dma_wait3A_40 : memref<1x128xi32, #tpu.memory_space<vmem>> -> memref<128xi32, #tpu.memory_space<vmem>>
          %dma_wait3A_42 = arith.constant 0 : i32
          %dma_wait3A_43 = arith.constant 0 : i32
          %dma_wait3A_44 = tpu.memref_slice %arg11[%dma_wait3A_42, %dma_wait3A_43] : memref<10240x128xf32, #tpu.memory_space<vmem_shared>> -> memref<10240x128xf32, #tpu.memory_space<vmem_shared>>
          tpu.wait_indirect_dma semaphore(%run_scoped3A : memref<!tpu.dma_semaphore, #tpu.memory_space<semaphore_mem>>) src(%arg10 : memref<128x128xf32, #tpu.memory_space<vmem>>) dst(%dma_wait3A_44 : memref<10240x128xf32, #tpu.memory_space<vmem_shared>>)
          tpu.yield
        }) : () -> ()
      }
      %scan3A_18 = arith.constant 79 : i32
      %barrier3A_19 = arith.constant 0 : index
      tpu.barrier barrier_id(%barrier3A_19)
      "tpu.region"() ({
        %run_scoped3A = tpu.sem_alloc : memref<!tpu.dma_semaphore, #tpu.memory_space<semaphore_mem>>
        %dma_start3A_20 = arith.constant 0 : i32
        %dma_start3A_21 = tpu.memref_slice %arg6[%mul3A_0, %dma_start3A_20] : memref<10000x128xf32, #tpu.memory_space<hbm>> -> memref<625x128xf32, #tpu.memory_space<hbm>>
        %dma_start3A_22 = arith.constant 0 : i32
        %dma_start3A_23 = tpu.memref_slice %arg11[%mul3A_0, %dma_start3A_22] : memref<10240x128xf32, #tpu.memory_space<vmem_shared>> -> memref<625x128xf32, #tpu.memory_space<vmem_shared>>
        tpu.enqueue_dma source(%dma_start3A_23 : memref<625x128xf32, #tpu.memory_space<vmem_shared>>) target(%dma_start3A_21 : memref<625x128xf32, #tpu.memory_space<hbm>>) target_semaphore(%run_scoped3A : memref<!tpu.dma_semaphore, #tpu.memory_space<semaphore_mem>>)
        %dma_wait3A_24 = arith.constant 0 : i32
        %dma_wait3A_25 = tpu.memref_slice %arg6[%mul3A_0, %dma_wait3A_24] : memref<10000x128xf32, #tpu.memory_space<hbm>> -> memref<625x128xf32, #tpu.memory_space<hbm>>
        %dma_wait3A_26 = arith.constant 0 : i32
        %dma_wait3A_27 = tpu.memref_slice %arg11[%mul3A_0, %dma_wait3A_26] : memref<10240x128xf32, #tpu.memory_space<vmem_shared>> -> memref<625x128xf32, #tpu.memory_space<vmem_shared>>
        tpu.wait_dma2 semaphore(%run_scoped3A : memref<!tpu.dma_semaphore, #tpu.memory_space<semaphore_mem>>) src(%dma_wait3A_27 : memref<625x128xf32, #tpu.memory_space<vmem_shared>>) dst(%dma_wait3A_25 : memref<625x128xf32, #tpu.memory_space<hbm>>)
        tpu.yield
      }) : () -> ()
    } else {
    }
    %eq3A_3 = arith.constant 1 : i32
    %eq3A_4 = arith.cmpi eq, %arg0, %eq3A_3 : i32
    %convert_element_type3A_5 = arith.extui %eq3A_4 : i1 to i32
    %cond3A_6 = arith.constant 0 : i32
    %cond3A_7 = arith.cmpi ne, %convert_element_type3A_5, %cond3A_6 : i32
    scf.if %cond3A_7 {
      %dma_start3A = arith.constant 0 : i32
      %dma_start3A_8 = tpu.memref_slice %arg11[%mul3A_0, %dma_start3A] : memref<10240x128xf32, #tpu.memory_space<vmem_shared>> -> memref<625x128xf32, #tpu.memory_space<vmem_shared>>
      %dma_start3A_9 = arith.constant 0 : i32
      %dma_start3A_10 = tpu.memref_slice %arg3[%mul3A_0, %dma_start3A_9] : memref<10000x128xf32, #tpu.memory_space<hbm>> -> memref<625x128xf32, #tpu.memory_space<hbm>>
      tpu.enqueue_dma source(%dma_start3A_10 : memref<625x128xf32, #tpu.memory_space<hbm>>) target(%dma_start3A_8 : memref<625x128xf32, #tpu.memory_space<vmem_shared>>) target_semaphore(%arg12 : memref<!tpu.dma_semaphore, #tpu.memory_space<semaphore_mem>>)
      "tpu.region"() ({
        %run_scoped3A = tpu.sem_alloc : memref<!tpu.dma_semaphore, #tpu.memory_space<semaphore_mem>>
        %dma_start3A_20 = arith.constant 0 : i32
        %dma_start3A_21 = arith.constant 0 : i32
        %dma_start3A_22 = tpu.memref_slice %arg4[%arg1, %dma_start3A_20, %dma_start3A_21] : memref<16x79x128xi32, #tpu.memory_space<hbm>> -> memref<1x79x128xi32, #tpu.memory_space<hbm>>
        %dma_start3A_23 = tpu.memref_squeeze %dma_start3A_22 : memref<1x79x128xi32, #tpu.memory_space<hbm>> -> memref<79x128xi32, #tpu.memory_space<hbm>>
        %dma_start3A_24 = arith.constant 0 : i32
        %dma_start3A_25 = arith.constant 0 : i32
        %dma_start3A_26 = tpu.memref_slice %arg4[%arg1, %dma_start3A_24, %dma_start3A_25] : memref<16x79x128xi32, #tpu.memory_space<hbm>> -> memref<1x79x128xi32, #tpu.memory_space<hbm>>
        %dma_start3A_27 = tpu.memref_squeeze %dma_start3A_26 : memref<1x79x128xi32, #tpu.memory_space<hbm>> -> memref<79x128xi32, #tpu.memory_space<hbm>>
        tpu.enqueue_dma source(%dma_start3A_27 : memref<79x128xi32, #tpu.memory_space<hbm>>) target(%arg8 : memref<79x128xi32, #tpu.memory_space<vmem>>) target_semaphore(%run_scoped3A : memref<!tpu.dma_semaphore, #tpu.memory_space<semaphore_mem>>)
        %dma_wait3A_28 = arith.constant 0 : i32
        %dma_wait3A_29 = arith.constant 0 : i32
        %dma_wait3A_30 = tpu.memref_slice %arg4[%arg1, %dma_wait3A_28, %dma_wait3A_29] : memref<16x79x128xi32, #tpu.memory_space<hbm>> -> memref<1x79x128xi32, #tpu.memory_space<hbm>>
        %dma_wait3A_31 = tpu.memref_squeeze %dma_wait3A_30 : memref<1x79x128xi32, #tpu.memory_space<hbm>> -> memref<79x128xi32, #tpu.memory_space<hbm>>
        %dma_wait3A_32 = arith.constant 0 : i32
        %dma_wait3A_33 = arith.constant 0 : i32
        %dma_wait3A_34 = tpu.memref_slice %arg4[%arg1, %dma_wait3A_32, %dma_wait3A_33] : memref<16x79x128xi32, #tpu.memory_space<hbm>> -> memref<1x79x128xi32, #tpu.memory_space<hbm>>
        %dma_wait3A_35 = tpu.memref_squeeze %dma_wait3A_34 : memref<1x79x128xi32, #tpu.memory_space<hbm>> -> memref<79x128xi32, #tpu.memory_space<hbm>>
        tpu.wait_dma2 semaphore(%run_scoped3A : memref<!tpu.dma_semaphore, #tpu.memory_space<semaphore_mem>>) src(%dma_wait3A_35 : memref<79x128xi32, #tpu.memory_space<hbm>>) dst(%arg8 : memref<79x128xi32, #tpu.memory_space<vmem>>)
        tpu.yield
      }) : () -> ()
      "tpu.region"() ({
        %run_scoped3A = tpu.sem_alloc : memref<!tpu.dma_semaphore, #tpu.memory_space<semaphore_mem>>
        %dma_start3A_20 = arith.constant 0 : i32
        %dma_start3A_21 = arith.constant 0 : i32
        %dma_start3A_22 = tpu.memref_slice %arg5[%arg1, %dma_start3A_20, %dma_start3A_21] : memref<16x79x128xi32, #tpu.memory_space<hbm>> -> memref<1x79x128xi32, #tpu.memory_space<hbm>>
        %dma_start3A_23 = tpu.memref_squeeze %dma_start3A_22 : memref<1x79x128xi32, #tpu.memory_space<hbm>> -> memref<79x128xi32, #tpu.memory_space<hbm>>
        %dma_start3A_24 = arith.constant 0 : i32
        %dma_start3A_25 = arith.constant 0 : i32
        %dma_start3A_26 = tpu.memref_slice %arg5[%arg1, %dma_start3A_24, %dma_start3A_25] : memref<16x79x128xi32, #tpu.memory_space<hbm>> -> memref<1x79x128xi32, #tpu.memory_space<hbm>>
        %dma_start3A_27 = tpu.memref_squeeze %dma_start3A_26 : memref<1x79x128xi32, #tpu.memory_space<hbm>> -> memref<79x128xi32, #tpu.memory_space<hbm>>
        tpu.enqueue_dma source(%dma_start3A_27 : memref<79x128xi32, #tpu.memory_space<hbm>>) target(%arg9 : memref<79x128xi32, #tpu.memory_space<vmem>>) target_semaphore(%run_scoped3A : memref<!tpu.dma_semaphore, #tpu.memory_space<semaphore_mem>>)
        %dma_wait3A_28 = arith.constant 0 : i32
        %dma_wait3A_29 = arith.constant 0 : i32
        %dma_wait3A_30 = tpu.memref_slice %arg5[%arg1, %dma_wait3A_28, %dma_wait3A_29] : memref<16x79x128xi32, #tpu.memory_space<hbm>> -> memref<1x79x128xi32, #tpu.memory_space<hbm>>
        %dma_wait3A_31 = tpu.memref_squeeze %dma_wait3A_30 : memref<1x79x128xi32, #tpu.memory_space<hbm>> -> memref<79x128xi32, #tpu.memory_space<hbm>>
        %dma_wait3A_32 = arith.constant 0 : i32
        %dma_wait3A_33 = arith.constant 0 : i32
        %dma_wait3A_34 = tpu.memref_slice %arg5[%arg1, %dma_wait3A_32, %dma_wait3A_33] : memref<16x79x128xi32, #tpu.memory_space<hbm>> -> memref<1x79x128xi32, #tpu.memory_space<hbm>>
        %dma_wait3A_35 = tpu.memref_squeeze %dma_wait3A_34 : memref<1x79x128xi32, #tpu.memory_space<hbm>> -> memref<79x128xi32, #tpu.memory_space<hbm>>
        tpu.wait_dma2 semaphore(%run_scoped3A : memref<!tpu.dma_semaphore, #tpu.memory_space<semaphore_mem>>) src(%dma_wait3A_35 : memref<79x128xi32, #tpu.memory_space<hbm>>) dst(%arg9 : memref<79x128xi32, #tpu.memory_space<vmem>>)
        tpu.yield
      }) : () -> ()
      %dma_wait3A = arith.constant 0 : i32
      %dma_wait3A_11 = tpu.memref_slice %arg11[%mul3A_0, %dma_wait3A] : memref<10240x128xf32, #tpu.memory_space<vmem_shared>> -> memref<625x128xf32, #tpu.memory_space<vmem_shared>>
      %dma_wait3A_12 = arith.constant 0 : i32
      %dma_wait3A_13 = tpu.memref_slice %arg3[%mul3A_0, %dma_wait3A_12] : memref<10000x128xf32, #tpu.memory_space<hbm>> -> memref<625x128xf32, #tpu.memory_space<hbm>>
      tpu.wait_dma2 semaphore(%arg12 : memref<!tpu.dma_semaphore, #tpu.memory_space<semaphore_mem>>) src(%dma_wait3A_13 : memref<625x128xf32, #tpu.memory_space<hbm>>) dst(%dma_wait3A_11 : memref<625x128xf32, #tpu.memory_space<vmem_shared>>)
      %barrier3A = arith.constant 0 : index
      tpu.barrier barrier_id(%barrier3A)
      %scan3A = arith.constant 0 : i32
      %scan3A_14 = arith.constant 0 : i32
      %scan3A_15 = arith.constant 79 : i32
      %scan3A_16 = arith.addi %scan3A_14, %scan3A_15 : i32
      %scan3A_17 = arith.constant 1 : i32
      scf.for %scan3A_20 = %scan3A_14 to %scan3A_16 step %scan3A_17  : i32 {
        %dma_start3A_21 = arith.constant 0 : i32
        %dma_start3A_22 = tpu.memref_slice %arg8[%scan3A_20, %dma_start3A_21] : memref<79x128xi32, #tpu.memory_space<vmem>> -> memref<1x128xi32, #tpu.memory_space<vmem>>
        %dma_start3A_23 = tpu.memref_squeeze %dma_start3A_22 : memref<1x128xi32, #tpu.memory_space<vmem>> -> memref<128xi32, #tpu.memory_space<vmem>>
        %dma_start3A_24 = arith.constant 0 : i32
        %dma_start3A_25 = arith.constant 0 : i32
        %dma_start3A_26 = tpu.memref_slice %arg3[%dma_start3A_24, %dma_start3A_25] : memref<10000x128xf32, #tpu.memory_space<hbm>> -> memref<10000x128xf32, #tpu.memory_space<hbm>>
        tpu.enqueue_indirect_dma source(%dma_start3A_26 : memref<10000x128xf32, #tpu.memory_space<hbm>>) target(%arg10 : memref<128x128xf32, #tpu.memory_space<vmem>>) offsets(%dma_start3A_23 : memref<128xi32, #tpu.memory_space<vmem>>) semaphore(%arg12 : memref<!tpu.dma_semaphore, #tpu.memory_space<semaphore_mem>>)
        %dma_wait3A_27 = arith.constant 0 : i32
        %dma_wait3A_28 = tpu.memref_slice %arg8[%scan3A_20, %dma_wait3A_27] : memref<79x128xi32, #tpu.memory_space<vmem>> -> memref<1x128xi32, #tpu.memory_space<vmem>>
        %dma_wait3A_29 = tpu.memref_squeeze %dma_wait3A_28 : memref<1x128xi32, #tpu.memory_space<vmem>> -> memref<128xi32, #tpu.memory_space<vmem>>
        %dma_wait3A_30 = arith.constant 0 : i32
        %dma_wait3A_31 = arith.constant 0 : i32
        %dma_wait3A_32 = tpu.memref_slice %arg3[%dma_wait3A_30, %dma_wait3A_31] : memref<10000x128xf32, #tpu.memory_space<hbm>> -> memref<10000x128xf32, #tpu.memory_space<hbm>>
        tpu.wait_indirect_dma semaphore(%arg12 : memref<!tpu.dma_semaphore, #tpu.memory_space<semaphore_mem>>) src(%dma_wait3A_32 : memref<10000x128xf32, #tpu.memory_space<hbm>>) dst(%arg10 : memref<128x128xf32, #tpu.memory_space<vmem>>)
        "tpu.region"() ({
          %run_scoped3A = tpu.sem_alloc : memref<!tpu.dma_semaphore, #tpu.memory_space<semaphore_mem>>
          %dma_start3A_33 = arith.constant 0 : i32
          %dma_start3A_34 = tpu.memref_slice %arg9[%scan3A_20, %dma_start3A_33] : memref<79x128xi32, #tpu.memory_space<vmem>> -> memref<1x128xi32, #tpu.memory_space<vmem>>
          %dma_start3A_35 = tpu.memref_squeeze %dma_start3A_34 : memref<1x128xi32, #tpu.memory_space<vmem>> -> memref<128xi32, #tpu.memory_space<vmem>>
          %dma_start3A_36 = arith.constant 0 : i32
          %dma_start3A_37 = arith.constant 0 : i32
          %dma_start3A_38 = tpu.memref_slice %arg11[%dma_start3A_36, %dma_start3A_37] : memref<10240x128xf32, #tpu.memory_space<vmem_shared>> -> memref<10240x128xf32, #tpu.memory_space<vmem_shared>>
          tpu.enqueue_indirect_dma source(%arg10 : memref<128x128xf32, #tpu.memory_space<vmem>>) target(%dma_start3A_38 : memref<10240x128xf32, #tpu.memory_space<vmem_shared>>) offsets(%dma_start3A_35 : memref<128xi32, #tpu.memory_space<vmem>>) semaphore(%run_scoped3A : memref<!tpu.dma_semaphore, #tpu.memory_space<semaphore_mem>>) {add = true}
          %dma_wait3A_39 = arith.constant 0 : i32
          %dma_wait3A_40 = tpu.memref_slice %arg9[%scan3A_20, %dma_wait3A_39] : memref<79x128xi32, #tpu.memory_space<vmem>> -> memref<1x128xi32, #tpu.memory_space<vmem>>
          %dma_wait3A_41 = tpu.memref_squeeze %dma_wait3A_40 : memref<1x128xi32, #tpu.memory_space<vmem>> -> memref<128xi32, #tpu.memory_space<vmem>>
          %dma_wait3A_42 = arith.constant 0 : i32
          %dma_wait3A_43 = arith.constant 0 : i32
          %dma_wait3A_44 = tpu.memref_slice %arg11[%dma_wait3A_42, %dma_wait3A_43] : memref<10240x128xf32, #tpu.memory_space<vmem_shared>> -> memref<10240x128xf32, #tpu.memory_space<vmem_shared>>
          tpu.wait_indirect_dma semaphore(%run_scoped3A : memref<!tpu.dma_semaphore, #tpu.memory_space<semaphore_mem>>) src(%arg10 : memref<128x128xf32, #tpu.memory_space<vmem>>) dst(%dma_wait3A_44 : memref<10240x128xf32, #tpu.memory_space<vmem_shared>>)
          tpu.yield
        }) : () -> ()
      }
      %scan3A_18 = arith.constant 79 : i32
      %barrier3A_19 = arith.constant 0 : index
      tpu.barrier barrier_id(%barrier3A_19)
      "tpu.region"() ({
        %run_scoped3A = tpu.sem_alloc : memref<!tpu.dma_semaphore, #tpu.memory_space<semaphore_mem>>
        %dma_start3A_20 = arith.constant 0 : i32
        %dma_start3A_21 = tpu.memref_slice %arg7[%mul3A_0, %dma_start3A_20] : memref<10000x128xf32, #tpu.memory_space<hbm>> -> memref<625x128xf32, #tpu.memory_space<hbm>>
        %dma_start3A_22 = arith.constant 0 : i32
        %dma_start3A_23 = tpu.memref_slice %arg11[%mul3A_0, %dma_start3A_22] : memref<10240x128xf32, #tpu.memory_space<vmem_shared>> -> memref<625x128xf32, #tpu.memory_space<vmem_shared>>
        tpu.enqueue_dma source(%dma_start3A_23 : memref<625x128xf32, #tpu.memory_space<vmem_shared>>) target(%dma_start3A_21 : memref<625x128xf32, #tpu.memory_space<hbm>>) target_semaphore(%run_scoped3A : memref<!tpu.dma_semaphore, #tpu.memory_space<semaphore_mem>>)
        %dma_wait3A_24 = arith.constant 0 : i32
        %dma_wait3A_25 = tpu.memref_slice %arg7[%mul3A_0, %dma_wait3A_24] : memref<10000x128xf32, #tpu.memory_space<hbm>> -> memref<625x128xf32, #tpu.memory_space<hbm>>
        %dma_wait3A_26 = arith.constant 0 : i32
        %dma_wait3A_27 = tpu.memref_slice %arg11[%mul3A_0, %dma_wait3A_26] : memref<10240x128xf32, #tpu.memory_space<vmem_shared>> -> memref<625x128xf32, #tpu.memory_space<vmem_shared>>
        tpu.wait_dma2 semaphore(%run_scoped3A : memref<!tpu.dma_semaphore, #tpu.memory_space<semaphore_mem>>) src(%dma_wait3A_27 : memref<625x128xf32, #tpu.memory_space<vmem_shared>>) dst(%dma_wait3A_25 : memref<625x128xf32, #tpu.memory_space<hbm>>)
        tpu.yield
      }) : () -> ()
    } else {
    }
    return
  }
}

#map = affine_map<(d0, d1) -> (0, 0)>
#map1 = affine_map<(d0, d1) -> (0, 0, 0)>
module attributes {stable_mosaic.version = 14 : i64} {
  func.func @_prop_body(%arg0: i32, %arg1: i32, %arg2: memref<10000x128xf32, #tpu.memory_space<hbm>>, %arg3: memref<10000x128xf32, #tpu.memory_space<hbm>>, %arg4: memref<16x79x128xi32, #tpu.memory_space<hbm>>, %arg5: memref<16x79x128xi32, #tpu.memory_space<hbm>>, %arg6: memref<10000x128xf32, #tpu.memory_space<hbm>>, %arg7: memref<10000x128xf32, #tpu.memory_space<hbm>>, %arg8: memref<79x128xi32, #tpu.memory_space<vmem>>, %arg9: memref<79x128xi32, #tpu.memory_space<vmem>>, %arg10: memref<128x128xf32, #tpu.memory_space<vmem>>, %arg11: memref<10240x128xf32, #tpu.memory_space<vmem_shared>>, %arg12: memref<!tpu.dma_semaphore, #tpu.memory_space<semaphore_mem>>) attributes {dimension_semantics = [#tpu.dimension_semantics<core_parallel>, #tpu.dimension_semantics<subcore_parallel>], iteration_bounds = array<i64: 2, 16>, scalar_prefetch = 0 : i64, scratch_operands = 5 : i64, tpu.core_type = #tpu.core_type<sc_vector_subcore>, window_params = [{transform_indices = #map}, {transform_indices = #map}, {transform_indices = #map1}, {transform_indices = #map1}, {transform_indices = #map}, {transform_indices = #map}]} {
    %mul3A = arith.constant 625 : i32
    %mul3A_0 = arith.muli %arg1, %mul3A : i32
    %eq3A = arith.constant 0 : i32
    %eq3A_1 = arith.cmpi eq, %arg0, %eq3A : i32
    %convert_element_type3A = arith.extui %eq3A_1 : i1 to i32
    %cond3A = arith.constant 0 : i32
    %cond3A_2 = arith.cmpi ne, %convert_element_type3A, %cond3A : i32
    scf.if %cond3A_2 {
      %dma_start3A = arith.constant 0 : i32
      %dma_start3A_8 = tpu.memref_slice %arg11[%mul3A_0, %dma_start3A] : memref<10240x128xf32, #tpu.memory_space<vmem_shared>> -> memref<625x128xf32, #tpu.memory_space<vmem_shared>>
      %dma_start3A_9 = arith.constant 0 : i32
      %dma_start3A_10 = tpu.memref_slice %arg2[%mul3A_0, %dma_start3A_9] : memref<10000x128xf32, #tpu.memory_space<hbm>> -> memref<625x128xf32, #tpu.memory_space<hbm>>
      tpu.enqueue_dma source(%dma_start3A_10 : memref<625x128xf32, #tpu.memory_space<hbm>>) target(%dma_start3A_8 : memref<625x128xf32, #tpu.memory_space<vmem_shared>>) target_semaphore(%arg12 : memref<!tpu.dma_semaphore, #tpu.memory_space<semaphore_mem>>)
      "tpu.region"() ({
        %run_scoped3A = tpu.sem_alloc : memref<!tpu.dma_semaphore, #tpu.memory_space<semaphore_mem>>
        %dma_start3A_20 = arith.constant 0 : i32
        %dma_start3A_21 = arith.constant 0 : i32
        %dma_start3A_22 = tpu.memref_slice %arg4[%arg1, %dma_start3A_20, %dma_start3A_21] : memref<16x79x128xi32, #tpu.memory_space<hbm>> -> memref<1x79x128xi32, #tpu.memory_space<hbm>>
        %dma_start3A_23 = tpu.memref_squeeze %dma_start3A_22 : memref<1x79x128xi32, #tpu.memory_space<hbm>> -> memref<79x128xi32, #tpu.memory_space<hbm>>
        %dma_start3A_24 = arith.constant 0 : i32
        %dma_start3A_25 = arith.constant 0 : i32
        %dma_start3A_26 = tpu.memref_slice %arg4[%arg1, %dma_start3A_24, %dma_start3A_25] : memref<16x79x128xi32, #tpu.memory_space<hbm>> -> memref<1x79x128xi32, #tpu.memory_space<hbm>>
        %dma_start3A_27 = tpu.memref_squeeze %dma_start3A_26 : memref<1x79x128xi32, #tpu.memory_space<hbm>> -> memref<79x128xi32, #tpu.memory_space<hbm>>
        tpu.enqueue_dma source(%dma_start3A_27 : memref<79x128xi32, #tpu.memory_space<hbm>>) target(%arg8 : memref<79x128xi32, #tpu.memory_space<vmem>>) target_semaphore(%run_scoped3A : memref<!tpu.dma_semaphore, #tpu.memory_space<semaphore_mem>>)
        %dma_wait3A_28 = arith.constant 0 : i32
        %dma_wait3A_29 = arith.constant 0 : i32
        %dma_wait3A_30 = tpu.memref_slice %arg4[%arg1, %dma_wait3A_28, %dma_wait3A_29] : memref<16x79x128xi32, #tpu.memory_space<hbm>> -> memref<1x79x128xi32, #tpu.memory_space<hbm>>
        %dma_wait3A_31 = tpu.memref_squeeze %dma_wait3A_30 : memref<1x79x128xi32, #tpu.memory_space<hbm>> -> memref<79x128xi32, #tpu.memory_space<hbm>>
        %dma_wait3A_32 = arith.constant 0 : i32
        %dma_wait3A_33 = arith.constant 0 : i32
        %dma_wait3A_34 = tpu.memref_slice %arg4[%arg1, %dma_wait3A_32, %dma_wait3A_33] : memref<16x79x128xi32, #tpu.memory_space<hbm>> -> memref<1x79x128xi32, #tpu.memory_space<hbm>>
        %dma_wait3A_35 = tpu.memref_squeeze %dma_wait3A_34 : memref<1x79x128xi32, #tpu.memory_space<hbm>> -> memref<79x128xi32, #tpu.memory_space<hbm>>
        tpu.wait_dma2 semaphore(%run_scoped3A : memref<!tpu.dma_semaphore, #tpu.memory_space<semaphore_mem>>) src(%dma_wait3A_35 : memref<79x128xi32, #tpu.memory_space<hbm>>) dst(%arg8 : memref<79x128xi32, #tpu.memory_space<vmem>>)
        tpu.yield
      }) : () -> ()
      "tpu.region"() ({
        %run_scoped3A = tpu.sem_alloc : memref<!tpu.dma_semaphore, #tpu.memory_space<semaphore_mem>>
        %dma_start3A_20 = arith.constant 0 : i32
        %dma_start3A_21 = arith.constant 0 : i32
        %dma_start3A_22 = tpu.memref_slice %arg5[%arg1, %dma_start3A_20, %dma_start3A_21] : memref<16x79x128xi32, #tpu.memory_space<hbm>> -> memref<1x79x128xi32, #tpu.memory_space<hbm>>
        %dma_start3A_23 = tpu.memref_squeeze %dma_start3A_22 : memref<1x79x128xi32, #tpu.memory_space<hbm>> -> memref<79x128xi32, #tpu.memory_space<hbm>>
        %dma_start3A_24 = arith.constant 0 : i32
        %dma_start3A_25 = arith.constant 0 : i32
        %dma_start3A_26 = tpu.memref_slice %arg5[%arg1, %dma_start3A_24, %dma_start3A_25] : memref<16x79x128xi32, #tpu.memory_space<hbm>> -> memref<1x79x128xi32, #tpu.memory_space<hbm>>
        %dma_start3A_27 = tpu.memref_squeeze %dma_start3A_26 : memref<1x79x128xi32, #tpu.memory_space<hbm>> -> memref<79x128xi32, #tpu.memory_space<hbm>>
        tpu.enqueue_dma source(%dma_start3A_27 : memref<79x128xi32, #tpu.memory_space<hbm>>) target(%arg9 : memref<79x128xi32, #tpu.memory_space<vmem>>) target_semaphore(%run_scoped3A : memref<!tpu.dma_semaphore, #tpu.memory_space<semaphore_mem>>)
        %dma_wait3A_28 = arith.constant 0 : i32
        %dma_wait3A_29 = arith.constant 0 : i32
        %dma_wait3A_30 = tpu.memref_slice %arg5[%arg1, %dma_wait3A_28, %dma_wait3A_29] : memref<16x79x128xi32, #tpu.memory_space<hbm>> -> memref<1x79x128xi32, #tpu.memory_space<hbm>>
        %dma_wait3A_31 = tpu.memref_squeeze %dma_wait3A_30 : memref<1x79x128xi32, #tpu.memory_space<hbm>> -> memref<79x128xi32, #tpu.memory_space<hbm>>
        %dma_wait3A_32 = arith.constant 0 : i32
        %dma_wait3A_33 = arith.constant 0 : i32
        %dma_wait3A_34 = tpu.memref_slice %arg5[%arg1, %dma_wait3A_32, %dma_wait3A_33] : memref<16x79x128xi32, #tpu.memory_space<hbm>> -> memref<1x79x128xi32, #tpu.memory_space<hbm>>
        %dma_wait3A_35 = tpu.memref_squeeze %dma_wait3A_34 : memref<1x79x128xi32, #tpu.memory_space<hbm>> -> memref<79x128xi32, #tpu.memory_space<hbm>>
        tpu.wait_dma2 semaphore(%run_scoped3A : memref<!tpu.dma_semaphore, #tpu.memory_space<semaphore_mem>>) src(%dma_wait3A_35 : memref<79x128xi32, #tpu.memory_space<hbm>>) dst(%arg9 : memref<79x128xi32, #tpu.memory_space<vmem>>)
        tpu.yield
      }) : () -> ()
      %dma_wait3A = arith.constant 0 : i32
      %dma_wait3A_11 = tpu.memref_slice %arg11[%mul3A_0, %dma_wait3A] : memref<10240x128xf32, #tpu.memory_space<vmem_shared>> -> memref<625x128xf32, #tpu.memory_space<vmem_shared>>
      %dma_wait3A_12 = arith.constant 0 : i32
      %dma_wait3A_13 = tpu.memref_slice %arg2[%mul3A_0, %dma_wait3A_12] : memref<10000x128xf32, #tpu.memory_space<hbm>> -> memref<625x128xf32, #tpu.memory_space<hbm>>
      tpu.wait_dma2 semaphore(%arg12 : memref<!tpu.dma_semaphore, #tpu.memory_space<semaphore_mem>>) src(%dma_wait3A_13 : memref<625x128xf32, #tpu.memory_space<hbm>>) dst(%dma_wait3A_11 : memref<625x128xf32, #tpu.memory_space<vmem_shared>>)
      %barrier3A = arith.constant 0 : index
      tpu.barrier barrier_id(%barrier3A)
      %scan3A = arith.constant 0 : i32
      %scan3A_14 = arith.constant 0 : i32
      %scan3A_15 = arith.constant 79 : i32
      %scan3A_16 = arith.addi %scan3A_14, %scan3A_15 : i32
      %scan3A_17 = arith.constant 1 : i32
      scf.for %scan3A_20 = %scan3A_14 to %scan3A_16 step %scan3A_17  : i32 {
        %dma_start3A_21 = arith.constant 0 : i32
        %dma_start3A_22 = tpu.memref_slice %arg8[%scan3A_20, %dma_start3A_21] : memref<79x128xi32, #tpu.memory_space<vmem>> -> memref<1x128xi32, #tpu.memory_space<vmem>>
        %dma_start3A_23 = tpu.memref_squeeze %dma_start3A_22 : memref<1x128xi32, #tpu.memory_space<vmem>> -> memref<128xi32, #tpu.memory_space<vmem>>
        %dma_start3A_24 = arith.constant 0 : i32
        %dma_start3A_25 = arith.constant 0 : i32
        %dma_start3A_26 = tpu.memref_slice %arg2[%dma_start3A_24, %dma_start3A_25] : memref<10000x128xf32, #tpu.memory_space<hbm>> -> memref<10000x128xf32, #tpu.memory_space<hbm>>
        tpu.enqueue_indirect_dma source(%dma_start3A_26 : memref<10000x128xf32, #tpu.memory_space<hbm>>) target(%arg10 : memref<128x128xf32, #tpu.memory_space<vmem>>) offsets(%dma_start3A_23 : memref<128xi32, #tpu.memory_space<vmem>>) semaphore(%arg12 : memref<!tpu.dma_semaphore, #tpu.memory_space<semaphore_mem>>)
        %dma_wait3A_27 = arith.constant 0 : i32
        %dma_wait3A_28 = tpu.memref_slice %arg8[%scan3A_20, %dma_wait3A_27] : memref<79x128xi32, #tpu.memory_space<vmem>> -> memref<1x128xi32, #tpu.memory_space<vmem>>
        %dma_wait3A_29 = tpu.memref_squeeze %dma_wait3A_28 : memref<1x128xi32, #tpu.memory_space<vmem>> -> memref<128xi32, #tpu.memory_space<vmem>>
        %dma_wait3A_30 = arith.constant 0 : i32
        %dma_wait3A_31 = arith.constant 0 : i32
        %dma_wait3A_32 = tpu.memref_slice %arg2[%dma_wait3A_30, %dma_wait3A_31] : memref<10000x128xf32, #tpu.memory_space<hbm>> -> memref<10000x128xf32, #tpu.memory_space<hbm>>
        tpu.wait_indirect_dma semaphore(%arg12 : memref<!tpu.dma_semaphore, #tpu.memory_space<semaphore_mem>>) src(%dma_wait3A_32 : memref<10000x128xf32, #tpu.memory_space<hbm>>) dst(%arg10 : memref<128x128xf32, #tpu.memory_space<vmem>>)
        "tpu.region"() ({
          %run_scoped3A = tpu.sem_alloc : memref<!tpu.dma_semaphore, #tpu.memory_space<semaphore_mem>>
          %dma_start3A_33 = arith.constant 0 : i32
          %dma_start3A_34 = tpu.memref_slice %arg9[%scan3A_20, %dma_start3A_33] : memref<79x128xi32, #tpu.memory_space<vmem>> -> memref<1x128xi32, #tpu.memory_space<vmem>>
          %dma_start3A_35 = tpu.memref_squeeze %dma_start3A_34 : memref<1x128xi32, #tpu.memory_space<vmem>> -> memref<128xi32, #tpu.memory_space<vmem>>
          %dma_start3A_36 = arith.constant 0 : i32
          %dma_start3A_37 = arith.constant 0 : i32
          %dma_start3A_38 = tpu.memref_slice %arg11[%dma_start3A_36, %dma_start3A_37] : memref<10240x128xf32, #tpu.memory_space<vmem_shared>> -> memref<10240x128xf32, #tpu.memory_space<vmem_shared>>
          tpu.enqueue_indirect_dma source(%arg10 : memref<128x128xf32, #tpu.memory_space<vmem>>) target(%dma_start3A_38 : memref<10240x128xf32, #tpu.memory_space<vmem_shared>>) offsets(%dma_start3A_35 : memref<128xi32, #tpu.memory_space<vmem>>) semaphore(%run_scoped3A : memref<!tpu.dma_semaphore, #tpu.memory_space<semaphore_mem>>) {add = true}
          %dma_wait3A_39 = arith.constant 0 : i32
          %dma_wait3A_40 = tpu.memref_slice %arg9[%scan3A_20, %dma_wait3A_39] : memref<79x128xi32, #tpu.memory_space<vmem>> -> memref<1x128xi32, #tpu.memory_space<vmem>>
          %dma_wait3A_41 = tpu.memref_squeeze %dma_wait3A_40 : memref<1x128xi32, #tpu.memory_space<vmem>> -> memref<128xi32, #tpu.memory_space<vmem>>
          %dma_wait3A_42 = arith.constant 0 : i32
          %dma_wait3A_43 = arith.constant 0 : i32
          %dma_wait3A_44 = tpu.memref_slice %arg11[%dma_wait3A_42, %dma_wait3A_43] : memref<10240x128xf32, #tpu.memory_space<vmem_shared>> -> memref<10240x128xf32, #tpu.memory_space<vmem_shared>>
          tpu.wait_indirect_dma semaphore(%run_scoped3A : memref<!tpu.dma_semaphore, #tpu.memory_space<semaphore_mem>>) src(%arg10 : memref<128x128xf32, #tpu.memory_space<vmem>>) dst(%dma_wait3A_44 : memref<10240x128xf32, #tpu.memory_space<vmem_shared>>)
          tpu.yield
        }) : () -> ()
      }
      %scan3A_18 = arith.constant 79 : i32
      %barrier3A_19 = arith.constant 0 : index
      tpu.barrier barrier_id(%barrier3A_19)
      "tpu.region"() ({
        %run_scoped3A = tpu.sem_alloc : memref<!tpu.dma_semaphore, #tpu.memory_space<semaphore_mem>>
        %dma_start3A_20 = arith.constant 0 : i32
        %dma_start3A_21 = tpu.memref_slice %arg6[%mul3A_0, %dma_start3A_20] : memref<10000x128xf32, #tpu.memory_space<hbm>> -> memref<625x128xf32, #tpu.memory_space<hbm>>
        %dma_start3A_22 = arith.constant 0 : i32
        %dma_start3A_23 = tpu.memref_slice %arg11[%mul3A_0, %dma_start3A_22] : memref<10240x128xf32, #tpu.memory_space<vmem_shared>> -> memref<625x128xf32, #tpu.memory_space<vmem_shared>>
        tpu.enqueue_dma source(%dma_start3A_23 : memref<625x128xf32, #tpu.memory_space<vmem_shared>>) target(%dma_start3A_21 : memref<625x128xf32, #tpu.memory_space<hbm>>) target_semaphore(%run_scoped3A : memref<!tpu.dma_semaphore, #tpu.memory_space<semaphore_mem>>)
        %dma_wait3A_24 = arith.constant 0 : i32
        %dma_wait3A_25 = tpu.memref_slice %arg6[%mul3A_0, %dma_wait3A_24] : memref<10000x128xf32, #tpu.memory_space<hbm>> -> memref<625x128xf32, #tpu.memory_space<hbm>>
        %dma_wait3A_26 = arith.constant 0 : i32
        %dma_wait3A_27 = tpu.memref_slice %arg11[%mul3A_0, %dma_wait3A_26] : memref<10240x128xf32, #tpu.memory_space<vmem_shared>> -> memref<625x128xf32, #tpu.memory_space<vmem_shared>>
        tpu.wait_dma2 semaphore(%run_scoped3A : memref<!tpu.dma_semaphore, #tpu.memory_space<semaphore_mem>>) src(%dma_wait3A_27 : memref<625x128xf32, #tpu.memory_space<vmem_shared>>) dst(%dma_wait3A_25 : memref<625x128xf32, #tpu.memory_space<hbm>>)
        tpu.yield
      }) : () -> ()
    } else {
    }
    %eq3A_3 = arith.constant 1 : i32
    %eq3A_4 = arith.cmpi eq, %arg0, %eq3A_3 : i32
    %convert_element_type3A_5 = arith.extui %eq3A_4 : i1 to i32
    %cond3A_6 = arith.constant 0 : i32
    %cond3A_7 = arith.cmpi ne, %convert_element_type3A_5, %cond3A_6 : i32
    scf.if %cond3A_7 {
      %dma_start3A = arith.constant 0 : i32
      %dma_start3A_8 = tpu.memref_slice %arg11[%mul3A_0, %dma_start3A] : memref<10240x128xf32, #tpu.memory_space<vmem_shared>> -> memref<625x128xf32, #tpu.memory_space<vmem_shared>>
      %dma_start3A_9 = arith.constant 0 : i32
      %dma_start3A_10 = tpu.memref_slice %arg3[%mul3A_0, %dma_start3A_9] : memref<10000x128xf32, #tpu.memory_space<hbm>> -> memref<625x128xf32, #tpu.memory_space<hbm>>
      tpu.enqueue_dma source(%dma_start3A_10 : memref<625x128xf32, #tpu.memory_space<hbm>>) target(%dma_start3A_8 : memref<625x128xf32, #tpu.memory_space<vmem_shared>>) target_semaphore(%arg12 : memref<!tpu.dma_semaphore, #tpu.memory_space<semaphore_mem>>)
      "tpu.region"() ({
        %run_scoped3A = tpu.sem_alloc : memref<!tpu.dma_semaphore, #tpu.memory_space<semaphore_mem>>
        %dma_start3A_20 = arith.constant 0 : i32
        %dma_start3A_21 = arith.constant 0 : i32
        %dma_start3A_22 = tpu.memref_slice %arg4[%arg1, %dma_start3A_20, %dma_start3A_21] : memref<16x79x128xi32, #tpu.memory_space<hbm>> -> memref<1x79x128xi32, #tpu.memory_space<hbm>>
        %dma_start3A_23 = tpu.memref_squeeze %dma_start3A_22 : memref<1x79x128xi32, #tpu.memory_space<hbm>> -> memref<79x128xi32, #tpu.memory_space<hbm>>
        %dma_start3A_24 = arith.constant 0 : i32
        %dma_start3A_25 = arith.constant 0 : i32
        %dma_start3A_26 = tpu.memref_slice %arg4[%arg1, %dma_start3A_24, %dma_start3A_25] : memref<16x79x128xi32, #tpu.memory_space<hbm>> -> memref<1x79x128xi32, #tpu.memory_space<hbm>>
        %dma_start3A_27 = tpu.memref_squeeze %dma_start3A_26 : memref<1x79x128xi32, #tpu.memory_space<hbm>> -> memref<79x128xi32, #tpu.memory_space<hbm>>
        tpu.enqueue_dma source(%dma_start3A_27 : memref<79x128xi32, #tpu.memory_space<hbm>>) target(%arg8 : memref<79x128xi32, #tpu.memory_space<vmem>>) target_semaphore(%run_scoped3A : memref<!tpu.dma_semaphore, #tpu.memory_space<semaphore_mem>>)
        %dma_wait3A_28 = arith.constant 0 : i32
        %dma_wait3A_29 = arith.constant 0 : i32
        %dma_wait3A_30 = tpu.memref_slice %arg4[%arg1, %dma_wait3A_28, %dma_wait3A_29] : memref<16x79x128xi32, #tpu.memory_space<hbm>> -> memref<1x79x128xi32, #tpu.memory_space<hbm>>
        %dma_wait3A_31 = tpu.memref_squeeze %dma_wait3A_30 : memref<1x79x128xi32, #tpu.memory_space<hbm>> -> memref<79x128xi32, #tpu.memory_space<hbm>>
        %dma_wait3A_32 = arith.constant 0 : i32
        %dma_wait3A_33 = arith.constant 0 : i32
        %dma_wait3A_34 = tpu.memref_slice %arg4[%arg1, %dma_wait3A_32, %dma_wait3A_33] : memref<16x79x128xi32, #tpu.memory_space<hbm>> -> memref<1x79x128xi32, #tpu.memory_space<hbm>>
        %dma_wait3A_35 = tpu.memref_squeeze %dma_wait3A_34 : memref<1x79x128xi32, #tpu.memory_space<hbm>> -> memref<79x128xi32, #tpu.memory_space<hbm>>
        tpu.wait_dma2 semaphore(%run_scoped3A : memref<!tpu.dma_semaphore, #tpu.memory_space<semaphore_mem>>) src(%dma_wait3A_35 : memref<79x128xi32, #tpu.memory_space<hbm>>) dst(%arg8 : memref<79x128xi32, #tpu.memory_space<vmem>>)
        tpu.yield
      }) : () -> ()
      "tpu.region"() ({
        %run_scoped3A = tpu.sem_alloc : memref<!tpu.dma_semaphore, #tpu.memory_space<semaphore_mem>>
        %dma_start3A_20 = arith.constant 0 : i32
        %dma_start3A_21 = arith.constant 0 : i32
        %dma_start3A_22 = tpu.memref_slice %arg5[%arg1, %dma_start3A_20, %dma_start3A_21] : memref<16x79x128xi32, #tpu.memory_space<hbm>> -> memref<1x79x128xi32, #tpu.memory_space<hbm>>
        %dma_start3A_23 = tpu.memref_squeeze %dma_start3A_22 : memref<1x79x128xi32, #tpu.memory_space<hbm>> -> memref<79x128xi32, #tpu.memory_space<hbm>>
        %dma_start3A_24 = arith.constant 0 : i32
        %dma_start3A_25 = arith.constant 0 : i32
        %dma_start3A_26 = tpu.memref_slice %arg5[%arg1, %dma_start3A_24, %dma_start3A_25] : memref<16x79x128xi32, #tpu.memory_space<hbm>> -> memref<1x79x128xi32, #tpu.memory_space<hbm>>
        %dma_start3A_27 = tpu.memref_squeeze %dma_start3A_26 : memref<1x79x128xi32, #tpu.memory_space<hbm>> -> memref<79x128xi32, #tpu.memory_space<hbm>>
        tpu.enqueue_dma source(%dma_start3A_27 : memref<79x128xi32, #tpu.memory_space<hbm>>) target(%arg9 : memref<79x128xi32, #tpu.memory_space<vmem>>) target_semaphore(%run_scoped3A : memref<!tpu.dma_semaphore, #tpu.memory_space<semaphore_mem>>)
        %dma_wait3A_28 = arith.constant 0 : i32
        %dma_wait3A_29 = arith.constant 0 : i32
        %dma_wait3A_30 = tpu.memref_slice %arg5[%arg1, %dma_wait3A_28, %dma_wait3A_29] : memref<16x79x128xi32, #tpu.memory_space<hbm>> -> memref<1x79x128xi32, #tpu.memory_space<hbm>>
        %dma_wait3A_31 = tpu.memref_squeeze %dma_wait3A_30 : memref<1x79x128xi32, #tpu.memory_space<hbm>> -> memref<79x128xi32, #tpu.memory_space<hbm>>
        %dma_wait3A_32 = arith.constant 0 : i32
        %dma_wait3A_33 = arith.constant 0 : i32
        %dma_wait3A_34 = tpu.memref_slice %arg5[%arg1, %dma_wait3A_32, %dma_wait3A_33] : memref<16x79x128xi32, #tpu.memory_space<hbm>> -> memref<1x79x128xi32, #tpu.memory_space<hbm>>
        %dma_wait3A_35 = tpu.memref_squeeze %dma_wait3A_34 : memref<1x79x128xi32, #tpu.memory_space<hbm>> -> memref<79x128xi32, #tpu.memory_space<hbm>>
        tpu.wait_dma2 semaphore(%run_scoped3A : memref<!tpu.dma_semaphore, #tpu.memory_space<semaphore_mem>>) src(%dma_wait3A_35 : memref<79x128xi32, #tpu.memory_space<hbm>>) dst(%arg9 : memref<79x128xi32, #tpu.memory_space<vmem>>)
        tpu.yield
      }) : () -> ()
      %dma_wait3A = arith.constant 0 : i32
      %dma_wait3A_11 = tpu.memref_slice %arg11[%mul3A_0, %dma_wait3A] : memref<10240x128xf32, #tpu.memory_space<vmem_shared>> -> memref<625x128xf32, #tpu.memory_space<vmem_shared>>
      %dma_wait3A_12 = arith.constant 0 : i32
      %dma_wait3A_13 = tpu.memref_slice %arg3[%mul3A_0, %dma_wait3A_12] : memref<10000x128xf32, #tpu.memory_space<hbm>> -> memref<625x128xf32, #tpu.memory_space<hbm>>
      tpu.wait_dma2 semaphore(%arg12 : memref<!tpu.dma_semaphore, #tpu.memory_space<semaphore_mem>>) src(%dma_wait3A_13 : memref<625x128xf32, #tpu.memory_space<hbm>>) dst(%dma_wait3A_11 : memref<625x128xf32, #tpu.memory_space<vmem_shared>>)
      %barrier3A = arith.constant 0 : index
      tpu.barrier barrier_id(%barrier3A)
      %scan3A = arith.constant 0 : i32
      %scan3A_14 = arith.constant 0 : i32
      %scan3A_15 = arith.constant 79 : i32
      %scan3A_16 = arith.addi %scan3A_14, %scan3A_15 : i32
      %scan3A_17 = arith.constant 1 : i32
      scf.for %scan3A_20 = %scan3A_14 to %scan3A_16 step %scan3A_17  : i32 {
        %dma_start3A_21 = arith.constant 0 : i32
        %dma_start3A_22 = tpu.memref_slice %arg8[%scan3A_20, %dma_start3A_21] : memref<79x128xi32, #tpu.memory_space<vmem>> -> memref<1x128xi32, #tpu.memory_space<vmem>>
        %dma_start3A_23 = tpu.memref_squeeze %dma_start3A_22 : memref<1x128xi32, #tpu.memory_space<vmem>> -> memref<128xi32, #tpu.memory_space<vmem>>
        %dma_start3A_24 = arith.constant 0 : i32
        %dma_start3A_25 = arith.constant 0 : i32
        %dma_start3A_26 = tpu.memref_slice %arg3[%dma_start3A_24, %dma_start3A_25] : memref<10000x128xf32, #tpu.memory_space<hbm>> -> memref<10000x128xf32, #tpu.memory_space<hbm>>
        tpu.enqueue_indirect_dma source(%dma_start3A_26 : memref<10000x128xf32, #tpu.memory_space<hbm>>) target(%arg10 : memref<128x128xf32, #tpu.memory_space<vmem>>) offsets(%dma_start3A_23 : memref<128xi32, #tpu.memory_space<vmem>>) semaphore(%arg12 : memref<!tpu.dma_semaphore, #tpu.memory_space<semaphore_mem>>)
        %dma_wait3A_27 = arith.constant 0 : i32
        %dma_wait3A_28 = tpu.memref_slice %arg8[%scan3A_20, %dma_wait3A_27] : memref<79x128xi32, #tpu.memory_space<vmem>> -> memref<1x128xi32, #tpu.memory_space<vmem>>
        %dma_wait3A_29 = tpu.memref_squeeze %dma_wait3A_28 : memref<1x128xi32, #tpu.memory_space<vmem>> -> memref<128xi32, #tpu.memory_space<vmem>>
        %dma_wait3A_30 = arith.constant 0 : i32
        %dma_wait3A_31 = arith.constant 0 : i32
        %dma_wait3A_32 = tpu.memref_slice %arg3[%dma_wait3A_30, %dma_wait3A_31] : memref<10000x128xf32, #tpu.memory_space<hbm>> -> memref<10000x128xf32, #tpu.memory_space<hbm>>
        tpu.wait_indirect_dma semaphore(%arg12 : memref<!tpu.dma_semaphore, #tpu.memory_space<semaphore_mem>>) src(%dma_wait3A_32 : memref<10000x128xf32, #tpu.memory_space<hbm>>) dst(%arg10 : memref<128x128xf32, #tpu.memory_space<vmem>>)
        "tpu.region"() ({
          %run_scoped3A = tpu.sem_alloc : memref<!tpu.dma_semaphore, #tpu.memory_space<semaphore_mem>>
          %dma_start3A_33 = arith.constant 0 : i32
          %dma_start3A_34 = tpu.memref_slice %arg9[%scan3A_20, %dma_start3A_33] : memref<79x128xi32, #tpu.memory_space<vmem>> -> memref<1x128xi32, #tpu.memory_space<vmem>>
          %dma_start3A_35 = tpu.memref_squeeze %dma_start3A_34 : memref<1x128xi32, #tpu.memory_space<vmem>> -> memref<128xi32, #tpu.memory_space<vmem>>
          %dma_start3A_36 = arith.constant 0 : i32
          %dma_start3A_37 = arith.constant 0 : i32
          %dma_start3A_38 = tpu.memref_slice %arg11[%dma_start3A_36, %dma_start3A_37] : memref<10240x128xf32, #tpu.memory_space<vmem_shared>> -> memref<10240x128xf32, #tpu.memory_space<vmem_shared>>
          tpu.enqueue_indirect_dma source(%arg10 : memref<128x128xf32, #tpu.memory_space<vmem>>) target(%dma_start3A_38 : memref<10240x128xf32, #tpu.memory_space<vmem_shared>>) offsets(%dma_start3A_35 : memref<128xi32, #tpu.memory_space<vmem>>) semaphore(%run_scoped3A : memref<!tpu.dma_semaphore, #tpu.memory_space<semaphore_mem>>) {add = true}
          %dma_wait3A_39 = arith.constant 0 : i32
          %dma_wait3A_40 = tpu.memref_slice %arg9[%scan3A_20, %dma_wait3A_39] : memref<79x128xi32, #tpu.memory_space<vmem>> -> memref<1x128xi32, #tpu.memory_space<vmem>>
          %dma_wait3A_41 = tpu.memref_squeeze %dma_wait3A_40 : memref<1x128xi32, #tpu.memory_space<vmem>> -> memref<128xi32, #tpu.memory_space<vmem>>
          %dma_wait3A_42 = arith.constant 0 : i32
          %dma_wait3A_43 = arith.constant 0 : i32
          %dma_wait3A_44 = tpu.memref_slice %arg11[%dma_wait3A_42, %dma_wait3A_43] : memref<10240x128xf32, #tpu.memory_space<vmem_shared>> -> memref<10240x128xf32, #tpu.memory_space<vmem_shared>>
          tpu.wait_indirect_dma semaphore(%run_scoped3A : memref<!tpu.dma_semaphore, #tpu.memory_space<semaphore_mem>>) src(%arg10 : memref<128x128xf32, #tpu.memory_space<vmem>>) dst(%dma_wait3A_44 : memref<10240x128xf32, #tpu.memory_space<vmem_shared>>)
          tpu.yield
        }) : () -> ()
      }
      %scan3A_18 = arith.constant 79 : i32
      %barrier3A_19 = arith.constant 0 : index
      tpu.barrier barrier_id(%barrier3A_19)
      "tpu.region"() ({
        %run_scoped3A = tpu.sem_alloc : memref<!tpu.dma_semaphore, #tpu.memory_space<semaphore_mem>>
        %dma_start3A_20 = arith.constant 0 : i32
        %dma_start3A_21 = tpu.memref_slice %arg7[%mul3A_0, %dma_start3A_20] : memref<10000x128xf32, #tpu.memory_space<hbm>> -> memref<625x128xf32, #tpu.memory_space<hbm>>
        %dma_start3A_22 = arith.constant 0 : i32
        %dma_start3A_23 = tpu.memref_slice %arg11[%mul3A_0, %dma_start3A_22] : memref<10240x128xf32, #tpu.memory_space<vmem_shared>> -> memref<625x128xf32, #tpu.memory_space<vmem_shared>>
        tpu.enqueue_dma source(%dma_start3A_23 : memref<625x128xf32, #tpu.memory_space<vmem_shared>>) target(%dma_start3A_21 : memref<625x128xf32, #tpu.memory_space<hbm>>) target_semaphore(%run_scoped3A : memref<!tpu.dma_semaphore, #tpu.memory_space<semaphore_mem>>)
        %dma_wait3A_24 = arith.constant 0 : i32
        %dma_wait3A_25 = tpu.memref_slice %arg7[%mul3A_0, %dma_wait3A_24] : memref<10000x128xf32, #tpu.memory_space<hbm>> -> memref<625x128xf32, #tpu.memory_space<hbm>>
        %dma_wait3A_26 = arith.constant 0 : i32
        %dma_wait3A_27 = tpu.memref_slice %arg11[%mul3A_0, %dma_wait3A_26] : memref<10240x128xf32, #tpu.memory_space<vmem_shared>> -> memref<625x128xf32, #tpu.memory_space<vmem_shared>>
        tpu.wait_dma2 semaphore(%run_scoped3A : memref<!tpu.dma_semaphore, #tpu.memory_space<semaphore_mem>>) src(%dma_wait3A_27 : memref<625x128xf32, #tpu.memory_space<vmem_shared>>) dst(%dma_wait3A_25 : memref<625x128xf32, #tpu.memory_space<hbm>>)
        tpu.yield
      }) : () -> ()
    } else {
    }
    return
  }
}

module attributes {stable_mosaic.version = 14 : i64} {
  func.func @_scale_split_body(%arg0: memref<32x10240xf32, #tpu.memory_space<vmem>>, %arg1: memref<10000x256xf32, #tpu.memory_space<vmem>>, %arg2: memref<10000x1xf32, #tpu.memory_space<vmem>>, %arg3: memref<10000x128xf32, #tpu.memory_space<vmem>>, %arg4: memref<10000x128xf32, #tpu.memory_space<vmem>>) attributes {dimension_semantics = [], scalar_prefetch = 0 : i64, scratch_operands = 0 : i64, tpu.core_type = #tpu.core_type<tc>} {
    %get3A = arith.constant 0 : index
    %get3A_0 = arith.constant 0 : index
    %get3A_1 = vector.load %arg0[%get3A, %get3A_0] : memref<32x10240xf32, #tpu.memory_space<vmem>>, vector<32x10240xf32>
    %reduce_sum3A = arith.constant dense<0.000000e+00> : vector<10240xf32>
    %reduce_sum3A_2 = vector.multi_reduction <add>, %get3A_1, %reduce_sum3A [0] : vector<32x10240xf32> to vector<10240xf32>
    %slice3A = vector.extract_strided_slice %reduce_sum3A_2 {offsets = [0], sizes = [10000], strides = [1]} : vector<10240xf32> to vector<10000xf32>
    %add3A = arith.constant 1.000000e+00 : f32
    %add3A_3 = vector.broadcast %add3A : f32 to vector<10000xf32>
    %add3A_4 = arith.addf %slice3A, %add3A_3 : vector<10000xf32>
    %rsqrt3A = math.rsqrt %add3A_4 : vector<10000xf32>
    %broadcast_in_dim3A = vector.shape_cast %rsqrt3A : vector<10000xf32> to vector<10000x1xf32>
    %swap3A = arith.constant 0 : index
    %swap3A_5 = arith.constant 0 : index
    %swap3A_6 = vector.load %arg2[%swap3A, %swap3A_5] : memref<10000x1xf32, #tpu.memory_space<vmem>>, vector<10000x1xf32>
    tpu.vector_store %arg2[%swap3A, %swap3A_5], %broadcast_in_dim3A {strides = array<i32>} : memref<10000x1xf32, #tpu.memory_space<vmem>>, vector<10000x1xf32>,
    %get3A_7 = arith.constant 0 : index
    %get3A_8 = arith.constant 0 : index
    %get3A_9 = vector.load %arg1[%get3A_7, %get3A_8] : memref<10000x256xf32, #tpu.memory_space<vmem>>, vector<10000x256xf32>
    %mul3A = vector.broadcast %broadcast_in_dim3A : vector<10000x1xf32> to vector<10000x256xf32>
    %mul3A_10 = arith.mulf %get3A_9, %mul3A : vector<10000x256xf32>
    %slice3A_11 = vector.extract_strided_slice %mul3A_10 {offsets = [0, 0], sizes = [10000, 128], strides = [1, 1]} : vector<10000x256xf32> to vector<10000x128xf32>
    %swap3A_12 = arith.constant 0 : index
    %swap3A_13 = arith.constant 0 : index
    %swap3A_14 = vector.load %arg3[%swap3A_12, %swap3A_13] : memref<10000x128xf32, #tpu.memory_space<vmem>>, vector<10000x128xf32>
    tpu.vector_store %arg3[%swap3A_12, %swap3A_13], %slice3A_11 {strides = array<i32>} : memref<10000x128xf32, #tpu.memory_space<vmem>>, vector<10000x128xf32>,
    %slice3A_15 = vector.extract_strided_slice %mul3A_10 {offsets = [0, 128], sizes = [10000, 128], strides = [1, 1]} : vector<10000x256xf32> to vector<10000x128xf32>
    %swap3A_16 = arith.constant 0 : index
    %swap3A_17 = arith.constant 0 : index
    %swap3A_18 = vector.load %arg4[%swap3A_16, %swap3A_17] : memref<10000x128xf32, #tpu.memory_space<vmem>>, vector<10000x128xf32>
    tpu.vector_store %arg4[%swap3A_16, %swap3A_17], %slice3A_15 {strides = array<i32>} : memref<10000x128xf32, #tpu.memory_space<vmem>>, vector<10000x128xf32>,
    return
  }
}

module attributes {stable_mosaic.version = 14 : i64} {
  func.func @_mlp_body(%arg0: i32, %arg1: memref<1000x128xf32, #tpu.memory_space<vmem>>, %arg2: memref<1000x128xf32, #tpu.memory_space<vmem>>, %arg3: memref<1000x1xf32, #tpu.memory_space<vmem>>, %arg4: memref<256x256xf32, #tpu.memory_space<vmem>>, %arg5: memref<256xf32, #tpu.memory_space<vmem>>, %arg6: memref<256x256xf32, #tpu.memory_space<vmem>>, %arg7: memref<256xf32, #tpu.memory_space<vmem>>, %arg8: memref<256x128xf32, #tpu.memory_space<vmem>>, %arg9: memref<256x128xf32, #tpu.memory_space<vmem>>, %arg10: memref<1000x128xf32, #tpu.memory_space<vmem>>, %arg11: memref<1000x128xf32, #tpu.memory_space<vmem>>) attributes {dimension_semantics = [#tpu.dimension_semantics<arbitrary>], iteration_bounds = array<i64: 10>, scalar_prefetch = 0 : i64, scratch_operands = 0 : i64, tpu.core_type = #tpu.core_type<tc>, window_params = [{transform_indices = @transform_0, window_bounds = array<i64: 1000, 128>}, {transform_indices = @transform_1, window_bounds = array<i64: 1000, 128>}, {transform_indices = @transform_2, window_bounds = array<i64: 1000, 1>}, {pipeline_mode = #tpu.pipeline_mode<synchronous>, transform_indices = @transform_3, window_bounds = array<i64: 256, 256>}, {pipeline_mode = #tpu.pipeline_mode<synchronous>, transform_indices = @transform_4, window_bounds = array<i64: 256>}, {pipeline_mode = #tpu.pipeline_mode<synchronous>, transform_indices = @transform_5, window_bounds = array<i64: 256, 256>}, {pipeline_mode = #tpu.pipeline_mode<synchronous>, transform_indices = @transform_6, window_bounds = array<i64: 256>}, {pipeline_mode = #tpu.pipeline_mode<synchronous>, transform_indices = @transform_7, window_bounds = array<i64: 256, 128>}, {pipeline_mode = #tpu.pipeline_mode<synchronous>, transform_indices = @transform_8, window_bounds = array<i64: 256, 128>}, {transform_indices = @transform_9, window_bounds = array<i64: 1000, 128>}, {transform_indices = @transform_10, window_bounds = array<i64: 1000, 128>}]} {
    %get3A = arith.constant 0 : index
    %get3A_0 = arith.constant 0 : index
    %get3A_1 = vector.load %arg3[%get3A, %get3A_0] : memref<1000x1xf32, #tpu.memory_space<vmem>>, vector<1000x1xf32>
    %get3A_2 = arith.constant 0 : index
    %get3A_3 = arith.constant 0 : index
    %get3A_4 = vector.load %arg1[%get3A_2, %get3A_3] : memref<1000x128xf32, #tpu.memory_space<vmem>>, vector<1000x128xf32>
    %mul3A = vector.broadcast %get3A_1 : vector<1000x1xf32> to vector<1000x128xf32>
    %mul3A_5 = arith.mulf %get3A_4, %mul3A : vector<1000x128xf32>
    %get3A_6 = arith.constant 0 : index
    %get3A_7 = arith.constant 0 : index
    %get3A_8 = vector.load %arg2[%get3A_6, %get3A_7] : memref<1000x128xf32, #tpu.memory_space<vmem>>, vector<1000x128xf32>
    %mul3A_9 = vector.broadcast %get3A_1 : vector<1000x1xf32> to vector<1000x128xf32>
    %mul3A_10 = arith.mulf %get3A_8, %mul3A_9 : vector<1000x128xf32>
    %get3A_11 = arith.constant 0 : index
    %get3A_12 = arith.constant 0 : index
    %get3A_13 = vector.load %arg4[%get3A_11, %get3A_12] : memref<256x256xf32, #tpu.memory_space<vmem>>, vector<256x256xf32>
    %slice3A = vector.extract_strided_slice %get3A_13 {offsets = [0, 0], sizes = [128, 256], strides = [1, 1]} : vector<256x256xf32> to vector<128x256xf32>
    %dot_general3A = arith.constant dense<0.000000e+00> : vector<1000x256xf32>
    %dot_general3A_14 = tpu.matmul %mul3A_5, %slice3A, %dot_general3A {dimension_numbers = #tpu.dot_dimension_numbers<[1], [0], [0], [1], [0, 0, 1, 1], [], []>, transpose_lhs_hint = false} : vector<1000x128xf32>, vector<128x256xf32>, vector<1000x256xf32> -> vector<1000x256xf32>
    %slice3A_15 = vector.extract_strided_slice %get3A_13 {offsets = [128, 0], sizes = [128, 256], strides = [1, 1]} : vector<256x256xf32> to vector<128x256xf32>
    %dot_general3A_16 = arith.constant dense<0.000000e+00> : vector<1000x256xf32>
    %dot_general3A_17 = tpu.matmul %mul3A_10, %slice3A_15, %dot_general3A_16 {dimension_numbers = #tpu.dot_dimension_numbers<[1], [0], [0], [1], [0, 0, 1, 1], [], []>, transpose_lhs_hint = false} : vector<1000x128xf32>, vector<128x256xf32>, vector<1000x256xf32> -> vector<1000x256xf32>
    %add3A = arith.addf %dot_general3A_14, %dot_general3A_17 : vector<1000x256xf32>
    %get3A_18 = arith.constant 0 : index
    %get3A_19 = vector.load %arg5[%get3A_18] : memref<256xf32, #tpu.memory_space<vmem>>, vector<256xf32>
    %broadcast_in_dim3A = vector.shape_cast %get3A_19 : vector<256xf32> to vector<1x256xf32>
    %add3A_20 = vector.broadcast %broadcast_in_dim3A : vector<1x256xf32> to vector<1000x256xf32>
    %add3A_21 = arith.addf %add3A, %add3A_20 : vector<1000x256xf32>
    %max3A = arith.constant 0.000000e+00 : f32
    %max3A_22 = vector.broadcast %max3A : f32 to vector<1000x256xf32>
    %max3A_23 = arith.maximumf %add3A_21, %max3A_22 : vector<1000x256xf32>
    %get3A_24 = arith.constant 0 : index
    %get3A_25 = arith.constant 0 : index
    %get3A_26 = vector.load %arg6[%get3A_24, %get3A_25] : memref<256x256xf32, #tpu.memory_space<vmem>>, vector<256x256xf32>
    %slice3A_27 = vector.extract_strided_slice %get3A_26 {offsets = [0, 0], sizes = [128, 256], strides = [1, 1]} : vector<256x256xf32> to vector<128x256xf32>
    %dot_general3A_28 = arith.constant dense<0.000000e+00> : vector<1000x256xf32>
    %dot_general3A_29 = tpu.matmul %mul3A_5, %slice3A_27, %dot_general3A_28 {dimension_numbers = #tpu.dot_dimension_numbers<[1], [0], [0], [1], [0, 0, 1, 1], [], []>, transpose_lhs_hint = false} : vector<1000x128xf32>, vector<128x256xf32>, vector<1000x256xf32> -> vector<1000x256xf32>
    %slice3A_30 = vector.extract_strided_slice %get3A_26 {offsets = [128, 0], sizes = [128, 256], strides = [1, 1]} : vector<256x256xf32> to vector<128x256xf32>
    %dot_general3A_31 = arith.constant dense<0.000000e+00> : vector<1000x256xf32>
    %dot_general3A_32 = tpu.matmul %mul3A_10, %slice3A_30, %dot_general3A_31 {dimension_numbers = #tpu.dot_dimension_numbers<[1], [0], [0], [1], [0, 0, 1, 1], [], []>, transpose_lhs_hint = false} : vector<1000x128xf32>, vector<128x256xf32>, vector<1000x256xf32> -> vector<1000x256xf32>
    %add3A_33 = arith.addf %dot_general3A_29, %dot_general3A_32 : vector<1000x256xf32>
    %get3A_34 = arith.constant 0 : index
    %get3A_35 = vector.load %arg7[%get3A_34] : memref<256xf32, #tpu.memory_space<vmem>>, vector<256xf32>
    %broadcast_in_dim3A_36 = vector.shape_cast %get3A_35 : vector<256xf32> to vector<1x256xf32>
    %add3A_37 = vector.broadcast %broadcast_in_dim3A_36 : vector<1x256xf32> to vector<1000x256xf32>
    %add3A_38 = arith.addf %add3A_33, %add3A_37 : vector<1000x256xf32>
    %max3A_39 = arith.constant 0.000000e+00 : f32
    %max3A_40 = vector.broadcast %max3A_39 : f32 to vector<1000x256xf32>
    %max3A_41 = arith.maximumf %add3A_38, %max3A_40 : vector<1000x256xf32>
    %get3A_42 = arith.constant 0 : index
    %get3A_43 = arith.constant 0 : index
    %get3A_44 = vector.load %arg8[%get3A_42, %get3A_43] : memref<256x128xf32, #tpu.memory_space<vmem>>, vector<256x128xf32>
    %dot_general3A_45 = arith.constant dense<0.000000e+00> : vector<1000x128xf32>
    %dot_general3A_46 = tpu.matmul %max3A_23, %get3A_44, %dot_general3A_45 {dimension_numbers = #tpu.dot_dimension_numbers<[1], [0], [0], [1], [0, 0, 1, 1], [], []>, transpose_lhs_hint = false} : vector<1000x256xf32>, vector<256x128xf32>, vector<1000x128xf32> -> vector<1000x128xf32>
    %mul3A_47 = vector.broadcast %get3A_1 : vector<1000x1xf32> to vector<1000x128xf32>
    %mul3A_48 = arith.mulf %dot_general3A_46, %mul3A_47 : vector<1000x128xf32>
    %swap3A = arith.constant 0 : index
    %swap3A_49 = arith.constant 0 : index
    %swap3A_50 = vector.load %arg10[%swap3A, %swap3A_49] : memref<1000x128xf32, #tpu.memory_space<vmem>>, vector<1000x128xf32>
    tpu.vector_store %arg10[%swap3A, %swap3A_49], %mul3A_48 {strides = array<i32>} : memref<1000x128xf32, #tpu.memory_space<vmem>>, vector<1000x128xf32>,
    %get3A_51 = arith.constant 0 : index
    %get3A_52 = arith.constant 0 : index
    %get3A_53 = vector.load %arg9[%get3A_51, %get3A_52] : memref<256x128xf32, #tpu.memory_space<vmem>>, vector<256x128xf32>
    %dot_general3A_54 = arith.constant dense<0.000000e+00> : vector<1000x128xf32>
    %dot_general3A_55 = tpu.matmul %max3A_41, %get3A_53, %dot_general3A_54 {dimension_numbers = #tpu.dot_dimension_numbers<[1], [0], [0], [1], [0, 0, 1, 1], [], []>, transpose_lhs_hint = false} : vector<1000x256xf32>, vector<256x128xf32>, vector<1000x128xf32> -> vector<1000x128xf32>
    %mul3A_56 = vector.broadcast %get3A_1 : vector<1000x1xf32> to vector<1000x128xf32>
    %mul3A_57 = arith.mulf %dot_general3A_55, %mul3A_56 : vector<1000x128xf32>
    %swap3A_58 = arith.constant 0 : index
    %swap3A_59 = arith.constant 0 : index
    %swap3A_60 = vector.load %arg11[%swap3A_58, %swap3A_59] : memref<1000x128xf32, #tpu.memory_space<vmem>>, vector<1000x128xf32>
    tpu.vector_store %arg11[%swap3A_58, %swap3A_59], %mul3A_57 {strides = array<i32>} : memref<1000x128xf32, #tpu.memory_space<vmem>>, vector<1000x128xf32>,
    return
  }
  func.func @transform_0(%arg0: i32) -> (i32, i32) {
    %c0_i32 = arith.constant 0 : i32
    %c0_i32_0 = arith.constant 0 : i32
    return %arg0, %c0_i32 : i32, i32
  }
  func.func @transform_1(%arg0: i32) -> (i32, i32) {
    %c0_i32 = arith.constant 0 : i32
    %c0_i32_0 = arith.constant 0 : i32
    return %arg0, %c0_i32 : i32, i32
  }
  func.func @transform_2(%arg0: i32) -> (i32, i32) {
    %c0_i32 = arith.constant 0 : i32
    %c0_i32_0 = arith.constant 0 : i32
    return %arg0, %c0_i32 : i32, i32
  }
  func.func @transform_3(%arg0: i32) -> (i32, i32) {
    %c0_i32 = arith.constant 0 : i32
    %c0_i32_0 = arith.constant 0 : i32
    %c0_i32_1 = arith.constant 0 : i32
    return %c0_i32, %c0_i32_0 : i32, i32
  }
  func.func @transform_4(%arg0: i32) -> i32 {
    %c0_i32 = arith.constant 0 : i32
    %c0_i32_0 = arith.constant 0 : i32
    return %c0_i32 : i32
  }
  func.func @transform_5(%arg0: i32) -> (i32, i32) {
    %c0_i32 = arith.constant 0 : i32
    %c0_i32_0 = arith.constant 0 : i32
    %c0_i32_1 = arith.constant 0 : i32
    return %c0_i32, %c0_i32_0 : i32, i32
  }
  func.func @transform_6(%arg0: i32) -> i32 {
    %c0_i32 = arith.constant 0 : i32
    %c0_i32_0 = arith.constant 0 : i32
    return %c0_i32 : i32
  }
  func.func @transform_7(%arg0: i32) -> (i32, i32) {
    %c0_i32 = arith.constant 0 : i32
    %c0_i32_0 = arith.constant 0 : i32
    %c0_i32_1 = arith.constant 0 : i32
    return %c0_i32, %c0_i32_0 : i32, i32
  }
  func.func @transform_8(%arg0: i32) -> (i32, i32) {
    %c0_i32 = arith.constant 0 : i32
    %c0_i32_0 = arith.constant 0 : i32
    %c0_i32_1 = arith.constant 0 : i32
    return %c0_i32, %c0_i32_0 : i32, i32
  }
  func.func @transform_9(%arg0: i32) -> (i32, i32) {
    %c0_i32 = arith.constant 0 : i32
    %c0_i32_0 = arith.constant 0 : i32
    return %arg0, %c0_i32 : i32, i32
  }
  func.func @transform_10(%arg0: i32) -> (i32, i32) {
    %c0_i32 = arith.constant 0 : i32
    %c0_i32_0 = arith.constant 0 : i32
    return %arg0, %c0_i32 : i32, i32
  }
}

module attributes {stable_mosaic.version = 14 : i64} {
  func.func @_final_body(%arg0: i32, %arg1: memref<1000x128xf32, #tpu.memory_space<vmem>>, %arg2: memref<1000x128xf32, #tpu.memory_space<vmem>>, %arg3: memref<1000x1xf32, #tpu.memory_space<vmem>>, %arg4: memref<128xf32, #tpu.memory_space<vmem>>, %arg5: memref<128xf32, #tpu.memory_space<vmem>>, %arg6: memref<1000x128xf32, #tpu.memory_space<vmem>>, %arg7: memref<1000x128xf32, #tpu.memory_space<vmem>>, %arg8: memref<1000x128xf32, #tpu.memory_space<vmem>>, %arg9: memref<1000x128xf32, #tpu.memory_space<vmem>>) attributes {dimension_semantics = [#tpu.dimension_semantics<arbitrary>], iteration_bounds = array<i64: 10>, scalar_prefetch = 0 : i64, scratch_operands = 0 : i64, tpu.core_type = #tpu.core_type<tc>, window_params = [{transform_indices = @transform_0, window_bounds = array<i64: 1000, 128>}, {transform_indices = @transform_1, window_bounds = array<i64: 1000, 128>}, {transform_indices = @transform_2, window_bounds = array<i64: 1000, 1>}, {pipeline_mode = #tpu.pipeline_mode<synchronous>, transform_indices = @transform_3, window_bounds = array<i64: 128>}, {pipeline_mode = #tpu.pipeline_mode<synchronous>, transform_indices = @transform_4, window_bounds = array<i64: 128>}, {transform_indices = @transform_5, window_bounds = array<i64: 1000, 128>}, {transform_indices = @transform_6, window_bounds = array<i64: 1000, 128>}, {transform_indices = @transform_7, window_bounds = array<i64: 1000, 128>}, {transform_indices = @transform_8, window_bounds = array<i64: 1000, 128>}]} {
    %get3A = arith.constant 0 : index
    %get3A_0 = arith.constant 0 : index
    %get3A_1 = vector.load %arg3[%get3A, %get3A_0] : memref<1000x1xf32, #tpu.memory_space<vmem>>, vector<1000x1xf32>
    %get3A_2 = arith.constant 0 : index
    %get3A_3 = arith.constant 0 : index
    %get3A_4 = vector.load %arg1[%get3A_2, %get3A_3] : memref<1000x128xf32, #tpu.memory_space<vmem>>, vector<1000x128xf32>
    %mul3A = vector.broadcast %get3A_1 : vector<1000x1xf32> to vector<1000x128xf32>
    %mul3A_5 = arith.mulf %get3A_4, %mul3A : vector<1000x128xf32>
    %get3A_6 = arith.constant 0 : index
    %get3A_7 = vector.load %arg4[%get3A_6] : memref<128xf32, #tpu.memory_space<vmem>>, vector<128xf32>
    %broadcast_in_dim3A = vector.shape_cast %get3A_7 : vector<128xf32> to vector<1x128xf32>
    %add3A = vector.broadcast %broadcast_in_dim3A : vector<1x128xf32> to vector<1000x128xf32>
    %add3A_8 = arith.addf %mul3A_5, %add3A : vector<1000x128xf32>
    %get3A_9 = arith.constant 0 : index
    %get3A_10 = arith.constant 0 : index
    %get3A_11 = vector.load %arg2[%get3A_9, %get3A_10] : memref<1000x128xf32, #tpu.memory_space<vmem>>, vector<1000x128xf32>
    %mul3A_12 = vector.broadcast %get3A_1 : vector<1000x1xf32> to vector<1000x128xf32>
    %mul3A_13 = arith.mulf %get3A_11, %mul3A_12 : vector<1000x128xf32>
    %get3A_14 = arith.constant 0 : index
    %get3A_15 = vector.load %arg5[%get3A_14] : memref<128xf32, #tpu.memory_space<vmem>>, vector<128xf32>
    %broadcast_in_dim3A_16 = vector.shape_cast %get3A_15 : vector<128xf32> to vector<1x128xf32>
    %add3A_17 = vector.broadcast %broadcast_in_dim3A_16 : vector<1x128xf32> to vector<1000x128xf32>
    %add3A_18 = arith.addf %mul3A_13, %add3A_17 : vector<1000x128xf32>
    %mul3A_19 = arith.constant 5.000000e-01 : f32
    %mul3A_20 = vector.broadcast %mul3A_19 : f32 to vector<1000x128xf32>
    %mul3A_21 = arith.mulf %mul3A_20, %add3A_18 : vector<1000x128xf32>
    %exp3A = math.exp %mul3A_21 : vector<1000x128xf32>
    %swap3A = arith.constant 0 : index
    %swap3A_22 = arith.constant 0 : index
    %swap3A_23 = vector.load %arg8[%swap3A, %swap3A_22] : memref<1000x128xf32, #tpu.memory_space<vmem>>, vector<1000x128xf32>
    tpu.vector_store %arg8[%swap3A, %swap3A_22], %add3A_8 {strides = array<i32>} : memref<1000x128xf32, #tpu.memory_space<vmem>>, vector<1000x128xf32>,
    %swap3A_24 = arith.constant 0 : index
    %swap3A_25 = arith.constant 0 : index
    %swap3A_26 = vector.load %arg9[%swap3A_24, %swap3A_25] : memref<1000x128xf32, #tpu.memory_space<vmem>>, vector<1000x128xf32>
    tpu.vector_store %arg9[%swap3A_24, %swap3A_25], %add3A_18 {strides = array<i32>} : memref<1000x128xf32, #tpu.memory_space<vmem>>, vector<1000x128xf32>,
    %get3A_27 = arith.constant 0 : index
    %get3A_28 = arith.constant 0 : index
    %get3A_29 = vector.load %arg6[%get3A_27, %get3A_28] : memref<1000x128xf32, #tpu.memory_space<vmem>>, vector<1000x128xf32>
    %mul3A_30 = arith.mulf %get3A_29, %exp3A : vector<1000x128xf32>
    %add3A_31 = arith.addf %add3A_8, %mul3A_30 : vector<1000x128xf32>
    %swap3A_32 = arith.constant 0 : index
    %swap3A_33 = arith.constant 0 : index
    %swap3A_34 = vector.load %arg7[%swap3A_32, %swap3A_33] : memref<1000x128xf32, #tpu.memory_space<vmem>>, vector<1000x128xf32>
    tpu.vector_store %arg7[%swap3A_32, %swap3A_33], %add3A_31 {strides = array<i32>} : memref<1000x128xf32, #tpu.memory_space<vmem>>, vector<1000x128xf32>,
    return
  }
  func.func @transform_0(%arg0: i32) -> (i32, i32) {
    %c0_i32 = arith.constant 0 : i32
    %c0_i32_0 = arith.constant 0 : i32
    return %arg0, %c0_i32 : i32, i32
  }
  func.func @transform_1(%arg0: i32) -> (i32, i32) {
    %c0_i32 = arith.constant 0 : i32
    %c0_i32_0 = arith.constant 0 : i32
    return %arg0, %c0_i32 : i32, i32
  }
  func.func @transform_2(%arg0: i32) -> (i32, i32) {
    %c0_i32 = arith.constant 0 : i32
    %c0_i32_0 = arith.constant 0 : i32
    return %arg0, %c0_i32 : i32, i32
  }
  func.func @transform_3(%arg0: i32) -> i32 {
    %c0_i32 = arith.constant 0 : i32
    %c0_i32_0 = arith.constant 0 : i32
    return %c0_i32 : i32
  }
  func.func @transform_4(%arg0: i32) -> i32 {
    %c0_i32 = arith.constant 0 : i32
    %c0_i32_0 = arith.constant 0 : i32
    return %c0_i32 : i32
  }
  func.func @transform_5(%arg0: i32) -> (i32, i32) {
    %c0_i32 = arith.constant 0 : i32
    %c0_i32_0 = arith.constant 0 : i32
    return %arg0, %c0_i32 : i32, i32
  }
  func.func @transform_6(%arg0: i32) -> (i32, i32) {
    %c0_i32 = arith.constant 0 : i32
    %c0_i32_0 = arith.constant 0 : i32
    return %arg0, %c0_i32 : i32, i32
  }
  func.func @transform_7(%arg0: i32) -> (i32, i32) {
    %c0_i32 = arith.constant 0 : i32
    %c0_i32_0 = arith.constant 0 : i32
    return %arg0, %c0_i32 : i32, i32
  }
  func.func @transform_8(%arg0: i32) -> (i32, i32) {
    %c0_i32 = arith.constant 0 : i32
    %c0_i32_0 = arith.constant 0 : i32
    return %arg0, %c0_i32 : i32, i32
  }
}

</mosaic_0001>

<sc_bundles>
// kernel: kernel.11.cloned.1.call-start
scs
__scs_entry_jumppad:
0x0: {  	(pc) =	sbr.rel $0x88, $3  }
0x1: {  	(tag) =	ssettag $0x0;
	lr =	simm.s32 $0x1  }
0x2: {  	[smem:$0x3F97] =	sst lr;
	_ =	strace $0xD0000000  }
0x3: {  	_ = 	snop  }
0x4: {  	_ = 	snop  }
0x5: {  	_ = 	snop  }
0x6: {  	_ = 	snop  }
0x7: {  	_ = 	snop  }
__scs_overlays_trampoline_lowered:
0x8: {  	[smem:$0x3FA6] =	sst s0  }
0x9: {  	[smem:$0x3FA7] =	sst s1  }
0xa: {  	[smem:$0x3FA8] =	sst s2  }
0xb: {  	[smem:$0x3FA9] =	sst s3  }
0xc: {  	[smem:$0x3FAA] =	sst s4  }
0xd: {  	[smem:$0x3FAB] =	sst s5  }
0xe: {  	[smem:$0x3FAC] =	sst s6  }
0xf: {  	[smem:$0x3FAD] =	sst s7  }
0x10: {  	[smem:$0x3FAE] =	sst s8  }
0x11: {  	[smem:$0x3FAF] =	sst s9;
	s0 =	simm.s32 @!p0 $0x0  }
0x12: {  	s1 =	sld [smem:$0x3F95];
	s0 =	simm.s32 @p0 $0x1  }
0x13: {  	[smem:$0x3FB0] =	sst s0;
	s0 =	simm.s32 @!p1 $0x0  }
0x14: {  	s2 =	sld [smem:$0x3F94];
	s0 =	simm.s32 @p1 $0x1  }
0x15: {  	[smem:$0x3FB1] =	sst s0;
	s0 =	simm.s32 @!p2 $0x0  }
0x16: {  	s3 =	sld [smem:$0x3FDB];
	s0 =	simm.s32 @p2 $0x1  }
0x17: {  	s4 =	simm.s32 $0x1BF5;
	[smem:$0x3FB3] =	sst s0  }
0x18: {  	s0 =	sld [smem:$0x3F96];
	_ =	swait.ge [sflag:s4], $0x0  }
0x19: {  	s7 =	sld [smem:$0x3F97]  }
0x1a: {  	s8 =	sadd.s32 $0xFFFFE003, lr  }
0x1b: {  	s9 =	sadd.s32 $0xFFFFFEF7, lr;
	s5 =	simm.s32 $0xFFFFFFFF;
	p2 =	slt.u32 s8, $0xFFFFF086  }
0x1c: {  	p1 =	slt.u32 s9, $0xF7A;
	s5 =	simm.s32 @!p2 $0x0  }
0x1d: {  	s5 =	simm.s32 @p1 $0x1;
	p0 =	seq.s32 s7, s2  }
0x1e: {  	s7 =	smul.u32 @!p0 $0xF7A, s2;
	p2 =	seq.s32 @!p0 s5, $0x0  }
0x1f: {  	s9 =	smul.u32 $0xF7A, s1;
	s8 =	simm.s32 @!p0 $0x1BF5;
	p2 =	por !p2, p0  }
0x20: {  	[sflag:s8] =	ssyncset.s32 @!p0 $0xFFFFF086;
	s6 =	sadd.s32 @!p0 s3, s7;
	s7 =	simm.s32 @!p0 $0x108  }
0x21: {  	s3 =	sadd.s32 s3, s9;
	s6 =	sadd.s32 @!p0 $0x88, s6;
	s7 =	simm.s32 @p2 $0x1082  }
0x22: {  	[simem:s7], [sflag:s8] =	dma.local @!p0 [hbm:s6], $0xF7A  }
0x23: {  	s9 =	sor.u32 $0xD0000000, s2;
	s6 =	simm.s32 $0x108;
	_ =	swait.ge @!p0 [sflag:s8], $0x0  }
0x24: {  	s3 =	sadd.s32 $0x88, s3;
	s6 =	simm.s32 @!p1 $0x1082;
	[sflag:s4] =	ssyncset.s32 $0xFFFFF086  }
0x25: {  	[simem:s6], [sflag:s4] =	dma.local [hbm:s3], $0xF7A  }
0x26: {  	[smem:$0x3F97] =	sst s1;
	(tag) =	ssettag s2;
	_ =	strace s9  }
0x27: {  	s1 =	sld [smem:$0x3FA7]  }
0x28: {  	s2 =	sld [smem:$0x3FA8]  }
0x29: {  	s4 =	sld [smem:$0x3FAA]  }
0x2a: {  	p0 =	seq.s32 s5, $0x0;
	s5 =	sld [smem:$0x3FAB]  }
0x2b: {  	s6 =	sld [smem:$0x3FAC]  }
0x2c: {  	s7 =	sld [smem:$0x3FAD]  }
0x2d: {  	s3 =	simm.s32 $0x108;
	s8 =	sld [smem:$0x3FAE]  }
0x2e: {  	s3 =	simm.s32 @!p0 $0x1082;
	s9 =	sld [smem:$0x3FAF]  }
0x2f: {  	lr =	sadd.s32 s0, s3;
	s0 =	sld [smem:$0x3FA6]  }
0x30: {  	s3 =	sld [smem:$0x3FA9]  }
0x31: {  	[smem:$0x3FB2] =	sst s10  }
0x32: {  	s10 =	sld [smem:$0x3FB0];
	_ =	sdelay $0x3  }
0x33: {  	p0 =	seq.s32 s10, $0x1;
	s10 =	sld [smem:$0x3FB2];
	_ =	sdelay $0x3  }
0x34: {  	[smem:$0x3FB2] =	sst s10  }
0x35: {  	s10 =	sld [smem:$0x3FB1];
	_ =	sdelay $0x3  }
0x36: {  	p1 =	seq.s32 s10, $0x1;
	s10 =	sld [smem:$0x3FB2];
	_ =	sdelay $0x3  }
0x37: {  	[smem:$0x3FB2] =	sst s10  }
0x38: {  	s10 =	sld [smem:$0x3FB3]  }
0x39: {  	_ = 	snop;
	(pc) =	sbr.ind lr, $3  }
0x3a: {  	_ = 	snop  }
0x3b: {  	_ = 	snop  }
0x3c: {  	p2 =	seq.s32 s10, $0x1;
	s10 =	sld [smem:$0x3FB2]  }
0x3d: {  	_ =	shalt  }
0x3e: {  	_ =	shalt  }
0x3f: {  	_ =	shalt  }
0x40: {  	_ =	shalt  }
0x41: {  	_ =	shalt  }
0x42: {  	_ =	shalt  }
0x43: {  	_ =	shalt  }
0x44: {  	_ =	shalt  }
0x45: {  	_ =	shalt  }
0x46: {  	_ =	shalt  }
0x47: {  	_ =	shalt  }
0x48: {  	_ =	shalt  }
0x49: {  	_ =	shalt  }
0x4a: {  	_ =	shalt  }
0x4b: {  	_ =	shalt  }
0x4c: {  	_ =	shalt  }
0x4d: {  	_ =	shalt  }
0x4e: {  	_ =	shalt  }
0x4f: {  	_ =	shalt  }
0x50: {  	_ =	shalt  }
0x51: {  	_ =	shalt  }
0x52: {  	_ =	shalt  }
0x53: {  	_ =	shalt  }
0x54: {  	_ =	shalt  }
0x55: {  	_ =	shalt  }
0x56: {  	_ =	shalt  }
0x57: {  	_ =	shalt  }
0x58: {  	_ =	shalt  }
0x59: {  	_ =	shalt  }
0x5a: {  	_ =	shalt  }
0x5b: {  	_ =	shalt  }
0x5c: {  	_ =	shalt  }
0x5d: {  	_ =	shalt  }
0x5e: {  	_ =	shalt  }
0x5f: {  	_ =	shalt  }
0x60: {  	_ =	shalt  }
0x61: {  	_ =	shalt  }
0x62: {  	_ =	shalt  }
0x63: {  	_ =	shalt  }
0x64: {  	_ =	shalt  }
0x65: {  	_ =	shalt  }
0x66: {  	_ =	shalt  }
0x67: {  	_ =	shalt  }
0x68: {  	_ =	shalt  }
0x69: {  	_ =	shalt  }
0x6a: {  	_ =	shalt  }
0x6b: {  	_ =	shalt  }
0x6c: {  	_ =	shalt  }
0x6d: {  	_ =	shalt  }
0x6e: {  	_ =	shalt  }
0x6f: {  	_ =	shalt  }
0x70: {  	_ =	shalt  }
0x71: {  	_ =	shalt  }
0x72: {  	_ =	shalt  }
0x73: {  	_ =	shalt  }
0x74: {  	_ =	shalt  }
0x75: {  	_ =	shalt  }
0x76: {  	_ =	shalt  }
0x77: {  	_ =	shalt  }
0x78: {  	_ =	shalt  }
0x79: {  	_ =	shalt  }
0x7a: {  	_ =	shalt  }
0x7b: {  	_ =	shalt  }
0x7c: {  	_ =	shalt  }
0x7d: {  	_ =	shalt  }
0x7e: {  	_ =	shalt  }
0x7f: {  	_ =	shalt  }
0x80: {  	_ =	shalt  }
0x81: {  	_ =	shalt  }
0x82: {  	_ =	shalt  }
0x83: {  	_ =	shalt  }
0x84: {  	_ =	shalt  }
0x85: {  	_ =	shalt  }
0x86: {  	_ =	shalt  }
0x87: {  	_ =	shalt  }
.Lfunc_end0:
.L_simem_size_0:
called_computation.1_lowered:
.L_overlay_start_0:
0x88: {  	s2 =	sld [smem:$0x3FD9]  }
0x89: {  	s3 =	sld [smem:$0x3FFE];
	_ =	sdelay $0x1  }
0x8a: {  	s1 =	srdreg.scid  }
0x8b: {  	s0 =	sand.u32 $0x1, s1  }
0x8c: {  	s14 =	sshll.u32 s0, $0xA;
	s2 =	sadd.s32 s3, s2  }
0x8d: {  	s2 =	sadd.s32 s2, s14  }
0x8e: {  	[smem:$0x3FBE] =	sst s2  }
0x8f: {  	_ = 	snop  }
0x90: {  	s2 =	sld [smem:$0x3FD0];
	_ =	sdelay $0x2  }
0x91: {  	s15 =	simm.s32 $0xA;
	s4 =	simm.s32 $0x10  }
0x92: {  	[smem:s4], [sflag:s15] =	dma.local [hbm:s2], $0x1  }
0x93: {  	_ =	swait.eq [sflag:s15], $0x1  }
0x94: {  	[sflag:s15] =	ssyncset.done $0x0  }
0x95: {  	s16 =	sld [smem:$0x11];
	[sflag:s15] =	ssyncadd.s32 $0xFFFFFFFF  }
0x96: {  	s17 =	sld [smem:$0x12];
	(tm) =	ssettm $0x1  }
0x97: {  	s18 =	sld [smem:$0x3FFB];
	_ =	sdelay $0x3  }
0x98: {  	_ =	strace s18  }
0x99: {  	s4 =	sld [smem:$0x3FFC];
	_ =	sdelay $0x3  }
0x9a: {  	_ =	strace s4  }
0x9b: {  	s4 =	sld [smem:$0x3FFD];
	_ =	sdelay $0x3  }
0x9c: {  	_ =	strace s4  }
0x9d: {  	_ =	strace $0x8FFFFFFF  }
0x9e: {  	s19 =	sld [smem:$0x3FDB];
	_ =	sdelay $0x1  }
0x9f: {  	s5 =	simm.s32 $_scs_section_size  }
0xa0: {  	s6 =	simm.s32 $_size__tile_overlayer_lowered;
	s7 =	simm.s32 $_tile_overlayer_lowered  }
0xa1: {  	s22 =	simm.s32 $0x1BFF;
	s21 =	sshll.u32 s7, $0x1;
	s4 =	sadd.s32 s5, s19  }
0xa2: {  	s8 =	simm.s32 $0x0;
	s20 =	sshll.u32 s6, $0x1;
	s6 =	sadd.s32 s21, s4  }
0xa3: {  	[timem:s8], [sflag:s22] =	dma.local [hbm:s6], s20  }
0xa4: {  	_ =	swait.ge [sflag:s22], s20  }
0xa5: {  	s5 =	ssub.s32 $0x0, s20;
	[sflag:s22] =	ssyncset.done $0x0  }
0xa6: {  	[sflag:s22] =	ssyncadd.s32 s5;
	_ =	sdelay $0x1  }
0xa7: {  	s23 =	simm.s32 $0x1B8B  }
0xa8: {  	_ =	swait.ge [sflag:s23], $0x1  }
0xa9: {  	[sflag:s23] =	ssyncset.done $0x0  }
0xaa: {  	s25 =	simm.s32 $0x1B8E;
	s24 =	sld [smem:$0x3FFE];
	[sflag:s23] =	ssyncadd.s32 $0xFFFFFFFF  }
0xab: {  	s26 =	simm.s32 $execute0_lowered;
	[smem:$0x3FD2] =	sst s25  }
0xac: {  	s6 =	sshll.u32 s26, $0x1;
	_ =	strace $0x80000049;
	[dreg:$0x1] =	wrdreg $0xFFFFFFFF  }
0xad: {  	s28 =	simm.s32 $_size_execute0_lowered;
	s4 =	sadd.s32 s4, s6;
	[dreg:$0x0] =	wrdreg $0x0  }
0xae: {  	s6 =	sshll.u32 s28, $0x1;
	[dreg:$0x2] =	wrdreg s4  }
0xaf: {  	[dreg:$0x3] =	wrdreg s6  }
0xb0: {  	[dreg:$0x4] =	wrdreg $0xC0  }
0xb1: {  	_ =	task [dreg:s8], $0x5FFFF  }
0xb2: {  	[dreg:$0x1] =	wrdreg $0xFFFFFFFF  }
0xb3: {  	[dreg:$0x0] =	wrdreg $0x60  }
0xb4: {  	[dreg:$0x2] =	wrdreg s17  }
0xb5: {  	[dreg:$0x3] =	wrdreg s16  }
0xb6: {  	[dreg:$0x4] =	wrdreg s24  }
0xb7: {  	[dreg:$0x5] =	wrdreg $0x8F000  }
0xb8: {  	[dreg:$0x6] =	wrdreg $0x9  }
0xb9: {  	_ =	task.clear_ibuf [dreg:s8], $0x7FFFF;
	_ =	strace $0x90000049  }
0xba: {  	s29 =	simm.s32 $0x9;
	_ =	strace $0x8000004B  }
0xbb: {  	_ =	swait.ge [sflag:s29], $0x1  }
0xbc: {  	[sflag:s29] =	ssyncadd.s32 $0xFFFFFFFF  }
0xbd: {  	_ =	strace $0x9000004B  }
0xbe: {  	_ =	sfence  }
0xbf: {  	s30 =	sld [smem:$0x0];
	_ =	sdelay $0x2  }
0xc0: {  	s31 =	sshll.u32 s1, $0xD;
	s1 =	sshrl.u32 s1, $0x2  }
0xc1: {  	s3 =	sand.u32 $0x4000, s31;
	s1 =	sadd.s32 s1, s30  }
0xc2: {  	s0 =	sor.u32 s3, s0;
	s1 =	sshll.u32 s1, $0x11  }
0xc3: {  	s0 =	sor.u32 s1, s0  }
0xc4: {  	s0 =	sadd.s32 $0x8F2B, s0  }
0xc5: {  	[sflag:s0] =	ssyncadd.remote.s32 $0x1  }
0xc6: {  	_ =	sfence.sel $0xFFFF  }
0xc7: {  	[dreg:$0x0] =	wrdreg $0xFFFFFFFF;
	(pc) =	sbr.abs _section_cstart, $3  }
0xc8: {  	[dreg:$0x1] =	wrdreg $0xFFFFFFFF  }
0xc9: {  	_ =	task.clear_ibuf [dreg:s8], $0x2FFFF;
	_ =	strace $0x9FFFFFFF  }
0xca: {  	(tm) =	ssettm $0x7FFFFFFF  }
0xcb: {  	_ =	shalt  }
tec
execute0_lowered:
.L_overlay_start_1:
0x0: {  	(tag) =	ssettag $0x1  }
0x1: {  	s1 =	rddreg [dreg:$0x0]  }
0x2: {  	s2 =	rddreg [dreg:$0x1]  }
0x3: {  	s7 =	rddreg [dreg:$0x2]  }
0x4: {  	s4 =	rddreg [dreg:$0x3]  }
0x5: {  	s0 =	rddreg [dreg:$0x4];
	s5 =	simm.s32 $0x0;
	s3 =	stileid.u32  }
0x6: {  	s8 =	srdreg.scid;
	s16 =	simm.s32 $0x2;
	s17 =	simm.s32 $0x2780  }
0x7: {  	s18 =	simm.s32 $0x1;
	s19 =	simm.s32 $0x80;
	s20 =	simm.s32 $0x4F00  }
0x8: {  	[smem:$0x7FF] =	sst s5;
	s6 =	smul.u32 $0x4F0, s3;
	s8 =	sand.u32 $0x1, s8  }
0x9: {  	s10 =	smul.u32 $0x13880, s3;
	s21 =	sshll.u32 s3, $0x6;
	_ =	strace $0x8000004A  }
0xa: {  	s9 =	ssub.s32 $0x2, s8;
	p0 =	seq.s32 s8, $0x1;
	s14 =	sor.u32 $0x1C01, s21  }
.Ltmp0:
0xb: {  	s21 =	sor.u32 $0x1C02, s21;
	s11 =	sadd.s32 s6, s7;
	(pc) =	sbr.rel .LBB2_1-.Ltmp0, $4  }
0xc: {  	s6 =	sadd.s32 $0xDC00, s7;
	s7 =	sadd.s32 $0x34E00, s7;
	s12 =	sshrl.u32 s9, $0x1  }
0xd: {  	s8 =	sshrl.u32 s10, $0x3;
	s15 =	sadd.s32 s10, s4;
	s13 =	ssub.s32 s9, s12  }
0xe: {  	s9 =	sadd.s32 s1, s8;
	s10 =	sadd.s32 $0x3C00, s11;
	s11 =	sadd.s32 $0x8C00, s11  }
0xf: {  	s12 =	sadd.s32 s2, s8;
	s15 =	sshrl.u32 s15, $0x3;
	s13 =	smax.u32 s13, $0x1  }
.LBB2_7:
0x10: {  	s22 =	sshra.s32 s22, $0x2;
	[sflag:s16] =	ssyncadd.s32 $0xFFFFC000  }
0x11: {  	[tilespmem:s20], [sflag:$0x1] =	stream.indirect.gather [hbm4b:s2+s19], $0x80, s22, s19, $0xb8;
	[tilespmem:$0x1CF00] =	vst v63  }
0x12: {  	_ =	swait.ge [sflag:s18], $0x4000  }
0x13: {  	[sflag:s18] =	ssyncset.done $0x0  }
0x14: {  	s22 =	sadd.s32 $0x2780, s22;
	[sflag:s18] =	ssyncadd.s32 $0xFFFFC000  }
0x15: {  	[spmem:s4] =	stream.indirect.scatter.add.f32 [tilespmem:s20], [sflag:$0x2], $0x80, s22, s19, $0xb8;
	[tilespmem:$0x1CF00] =	vst v63  }
0x16: {  	_ =	swait.ge [sflag:s16], $0x4000  }
0x17: {  	[sflag:s16] =	ssyncset.done $0x0  }
0x18: {  	s22 =	smov.u32 s7;
	[sflag:s16] =	ssyncadd.s32 $0xFFFFC000  }
.LBB2_8:
0x19: {  	s5 =	sadd.s32 $0x1, s5  }
0x1a: {  	p1 =	sne.s32 s5, s13  }
.Ltmp1:
0x1b: {  	s22 =	sadd.s32 s22, s8;
	[bflag:$0x0] =	sbarrier.arrive $0xFFFF;
	(pc) =	sbr.rel @!p1 .LBB2_9-.Ltmp1, $4  }
0x1c: {  	[hbm:s22], [sflag:s21] =	dma.local [spmem:s15], $0x2710  }
0x1d: {  	_ =	swait.ge [sflag:s16], $0x2710  }
0x1e: {  	[sflag:s16] =	ssyncset.done $0x0  }
0x1f: {  	[sflag:s16] =	ssyncadd.s32 $0xFFFFD8F0  }
.LBB2_1:
.Ltmp2:
0x20: {  	(pc) =	sbr.rel @!p0 .LBB2_2-.Ltmp2, $1  }
0x21: {  	_ =	sdelay $0x3  }
0x22: {  	[spmem:s15], [sflag:s14] =	dma.local [hbm:s12], $0x2710  }
0x23: {  	s22 =	simm.s32 $0x0  }
0x24: {  	[tilespmem:s22], [sflag:$0x2] =	stream.linear.gather [hbm4b:s10+s22], $0x2780, $0x38;
	[tilespmem:$0x1CF00] =	vst v63  }
0x25: {  	_ =	swait.ge [sflag:s16], $0x2780  }
0x26: {  	[sflag:s16] =	ssyncset.done $0x0  }
0x27: {  	[sflag:s16] =	ssyncadd.s32 $0xFFFFD880  }
0x28: {  	[tilespmem:s17], [sflag:$0x2] =	stream.linear.gather [hbm4b:s11+s22], $0x2780, $0x38;
	[tilespmem:$0x1CF00] =	vst v63  }
0x29: {  	_ =	swait.ge [sflag:s16], $0x2780  }
0x2a: {  	[sflag:s16] =	ssyncset.done $0x0  }
0x2b: {  	[sflag:s16] =	ssyncadd.s32 $0xFFFFD880  }
0x2c: {  	_ =	swait.ge [sflag:s18], $0x2710  }
0x2d: {  	[sflag:s18] =	ssyncset.done $0x0  }
0x2e: {  	[sflag:s18] =	ssyncadd.s32 $0xFFFFD8F0  }
0x2f: {  	s30 =	simm.s32 $0x0;
	[bflag:$0x0] =	sbarrier.arrive $0xFFFF  }
0x30: {  	[tilespmem:s20], [sflag:$0x1] =	stream.indirect.gather [hbm4b:s2+s19], $0x80, s30, s19, $0xb8;
	[tilespmem:$0x1CF00] =	vst v63  }
0x31: {  	_ =	swait.ge [sflag:s18], $0x4000  }
0x32: {  	[sflag:s18] =	ssyncset.done $0x0  }
0x33: {  	s31 =	simm.s32 $0x2780;
	[sflag:s18] =	ssyncadd.s32 $0xFFFFC000  }
0x34: {  	[spmem:s4] =	stream.indirect.scatter.add.f32 [tilespmem:s20], [sflag:$0x2], $0x80, s31, s19, $0xb8;
	[tilespmem:$0x1CF00] =	vst v63  }
0x35: {  	_ =	swait.ge [sflag:s16], $0x4000  }
0x36: {  	s23 =	simm.s32 $0x400;
	s22 =	simm.s32 $0x200;
	[sflag:s16] =	ssyncset.done $0x0  }
.LBB2_6:
0x37: {  	s24 =	sshra.s32 s22, $0x2  }
0x38: {  	[sflag:s16] =	ssyncadd.s32 $0xFFFFC000;
	s22 =	smov.u32 s23;
	s25 =	sadd.s32 $0x200, s23  }
0x39: {  	[tilespmem:s20], [sflag:$0x1] =	stream.indirect.gather [hbm4b:s2+s19], $0x80, s24, s19, $0xb8;
	[tilespmem:$0x1CF00] =	vst v63  }
0x3a: {  	p1 =	sne.s32 s23, $0x9C00;
	_ =	swait.ge [sflag:s18], $0x4000  }
.Ltmp3:
0x3b: {  	[sflag:s18] =	ssyncset.done $0x0;
	(pc) =	sbr.rel @p1 .LBB2_6-.Ltmp3, $4  }
0x3c: {  	s23 =	sadd.s32 $0x2780, s24;
	[sflag:s18] =	ssyncadd.s32 $0xFFFFC000  }
0x3d: {  	[spmem:s4] =	stream.indirect.scatter.add.f32 [tilespmem:s20], [sflag:$0x2], $0x80, s23, s19, $0xb8;
	[tilespmem:$0x1CF00] =	vst v63  }
0x3e: {  	_ =	swait.ge [sflag:s16], $0x4000  }
0x3f: {  	s23 =	smov.u32 s25;
	[sflag:s16] =	ssyncset.done $0x0  }
.Ltmp4:
0x40: {  	_ = 	snop;
	(pc) =	sbr.rel .LBB2_7-.Ltmp4, $1  }
0x41: {  	_ =	sdelay $0x3  }
.LBB2_2:
0x42: {  	[spmem:s15], [sflag:s14] =	dma.local [hbm:s9], $0x2710  }
0x43: {  	s22 =	simm.s32 $0x0  }
0x44: {  	[tilespmem:s22], [sflag:$0x2] =	stream.linear.gather [hbm4b:s10+s22], $0x2780, $0x38;
	[tilespmem:$0x1CF00] =	vst v63  }
0x45: {  	_ =	swait.ge [sflag:s16], $0x2780  }
0x46: {  	[sflag:s16] =	ssyncset.done $0x0  }
0x47: {  	[sflag:s16] =	ssyncadd.s32 $0xFFFFD880  }
0x48: {  	[tilespmem:s17], [sflag:$0x2] =	stream.linear.gather [hbm4b:s11+s22], $0x2780, $0x38;
	[tilespmem:$0x1CF00] =	vst v63  }
0x49: {  	_ =	swait.ge [sflag:s16], $0x2780  }
0x4a: {  	[sflag:s16] =	ssyncset.done $0x0  }
0x4b: {  	[sflag:s16] =	ssyncadd.s32 $0xFFFFD880  }
0x4c: {  	_ =	swait.ge [sflag:s18], $0x2710  }
0x4d: {  	[sflag:s18] =	ssyncset.done $0x0  }
0x4e: {  	[sflag:s18] =	ssyncadd.s32 $0xFFFFD8F0  }
0x4f: {  	s30 =	simm.s32 $0x0;
	[bflag:$0x0] =	sbarrier.arrive $0xFFFF  }
0x50: {  	[tilespmem:s20], [sflag:$0x1] =	stream.indirect.gather [hbm4b:s1+s19], $0x80, s30, s19, $0xb8;
	[tilespmem:$0x1CF00] =	vst v63  }
0x51: {  	_ =	swait.ge [sflag:s18], $0x4000  }
0x52: {  	[sflag:s18] =	ssyncset.done $0x0  }
0x53: {  	s31 =	simm.s32 $0x2780;
	[sflag:s18] =	ssyncadd.s32 $0xFFFFC000  }
0x54: {  	[spmem:s4] =	stream.indirect.scatter.add.f32 [tilespmem:s20], [sflag:$0x2], $0x80, s31, s19, $0xb8;
	[tilespmem:$0x1CF00] =	vst v63  }
0x55: {  	_ =	swait.ge [sflag:s16], $0x4000  }
0x56: {  	s23 =	simm.s32 $0x400;
	s22 =	simm.s32 $0x200;
	[sflag:s16] =	ssyncset.done $0x0  }
.LBB2_3:
0x57: {  	s24 =	sshra.s32 s22, $0x2  }
0x58: {  	[sflag:s16] =	ssyncadd.s32 $0xFFFFC000;
	s22 =	smov.u32 s23;
	s25 =	sadd.s32 $0x200, s23  }
0x59: {  	[tilespmem:s20], [sflag:$0x1] =	stream.indirect.gather [hbm4b:s1+s19], $0x80, s24, s19, $0xb8;
	[tilespmem:$0x1CF00] =	vst v63  }
0x5a: {  	p1 =	seq.s32 s23, $0x9C00;
	_ =	swait.ge [sflag:s18], $0x4000  }
.Ltmp5:
0x5b: {  	[sflag:s18] =	ssyncset.done $0x0;
	(pc) =	sbr.rel @!p1 .LBB2_3-.Ltmp5, $4  }
0x5c: {  	s23 =	sadd.s32 $0x2780, s24;
	[sflag:s18] =	ssyncadd.s32 $0xFFFFC000  }
0x5d: {  	[spmem:s4] =	stream.indirect.scatter.add.f32 [tilespmem:s20], [sflag:$0x2], $0x80, s23, s19, $0xb8;
	[tilespmem:$0x1CF00] =	vst v63  }
0x5e: {  	_ =	swait.ge [sflag:s16], $0x4000  }
0x5f: {  	s23 =	smov.u32 s25;
	[sflag:s16] =	ssyncset.done $0x0  }
0x60: {  	s22 =	sshra.s32 s22, $0x2;
	[sflag:s16] =	ssyncadd.s32 $0xFFFFC000  }
0x61: {  	[tilespmem:s20], [sflag:$0x1] =	stream.indirect.gather [hbm4b:s1+s19], $0x80, s22, s19, $0xb8;
	[tilespmem:$0x1CF00] =	vst v63  }
0x62: {  	_ =	swait.ge [sflag:s18], $0x4000  }
0x63: {  	[sflag:s18] =	ssyncset.done $0x0  }
.Ltmp6:
0x64: {  	s22 =	sadd.s32 $0x2780, s22;
	[sflag:s18] =	ssyncadd.s32 $0xFFFFC000;
	(pc) =	sbr.rel .LBB2_8-.Ltmp6, $4  }
0x65: {  	[spmem:s4] =	stream.indirect.scatter.add.f32 [tilespmem:s20], [sflag:$0x2], $0x80, s22, s19, $0xb8;
	[tilespmem:$0x1CF00] =	vst v63  }
0x66: {  	_ =	swait.ge [sflag:s16], $0x4000  }
0x67: {  	[sflag:s16] =	ssyncset.done $0x0  }
0x68: {  	s22 =	smov.u32 s6;
	[sflag:s16] =	ssyncadd.s32 $0xFFFFC000  }
.LBB2_9:
0x69: {  	_ =	sfence.sel $0x180000  }
0x6a: {  	[bflag:$0x0] =	sbarrier.arrive $0xFFFF  }
0x6b: {  	p0 =	sne.s32 s3, $0x0;
	_ =	strace $0x9000004A  }
0x6c: {  	s0 =	sadd.s32 @!p0 $0x100000, s0;
	[bflag:$0x2] =	sbarrier.arrive $0xFFFF  }
0x6d: {  	[sflag:s0] =	ssyncadd.tile.s32 @!p0 $0x1;
	_ =	shalt  }
.Lfunc_end2:
_tile_overlayer_lowered:
.L_overlay_start_2:
0x6e: {  	(tag) =	ssettag $0x2  }
0x6f: {  	s0 =	rddreg [dreg:$0x0];
	s2 =	stileid.u32  }
0x70: {  	s1 =	rddreg [dreg:$0x1];
	p0 =	sne.s32 s2, $0x0  }
0x71: {  	s3 =	rddreg [dreg:$0x2];
	[bflag:$0x3] =	sbarrier.arrive $0xFFFF;
	s2 =	simm.s32 @!p0 $0x1C02  }
0x72: {  	[timem:s3], [sflag:s2] =	dma.local @!p0 [hbm:s0], s1  }
0x73: {  	s0 =	simm.s32 @!p0 $0x2  }
0x74: {  	_ =	swait.ge @!p0 [sflag:s0], s1  }
0x75: {  	s1 =	ssub.s32 @!p0 $0x0, s1;
	[sflag:s0] =	ssyncset.done @!p0 $0x0  }
0x76: {  	[sflag:s0] =	ssyncadd.s32 @!p0 s1  }
0x77: {  	[bflag:$0x3] =	sbarrier.arrive $0xFFFF  }
0x78: {  	_ =	shalt  }

// kernel: kernel.14.cloned.1.call-start
scs
__scs_entry_jumppad:
0x0: {  	(pc) =	sbr.rel $0x88, $3  }
0x1: {  	(tag) =	ssettag $0x0;
	lr =	simm.s32 $0x1  }
0x2: {  	[smem:$0x3F97] =	sst lr;
	_ =	strace $0xD0000000  }
0x3: {  	_ = 	snop  }
0x4: {  	_ = 	snop  }
0x5: {  	_ = 	snop  }
0x6: {  	_ = 	snop  }
0x7: {  	_ = 	snop  }
__scs_overlays_trampoline_lowered:
0x8: {  	[smem:$0x3FA6] =	sst s0  }
0x9: {  	[smem:$0x3FA7] =	sst s1  }
0xa: {  	[smem:$0x3FA8] =	sst s2  }
0xb: {  	[smem:$0x3FA9] =	sst s3  }
0xc: {  	[smem:$0x3FAA] =	sst s4  }
0xd: {  	[smem:$0x3FAB] =	sst s5  }
0xe: {  	[smem:$0x3FAC] =	sst s6  }
0xf: {  	[smem:$0x3FAD] =	sst s7  }
0x10: {  	[smem:$0x3FAE] =	sst s8  }
0x11: {  	[smem:$0x3FAF] =	sst s9;
	s0 =	simm.s32 @!p0 $0x0  }
0x12: {  	s1 =	sld [smem:$0x3F95];
	s0 =	simm.s32 @p0 $0x1  }
0x13: {  	[smem:$0x3FB0] =	sst s0;
	s0 =	simm.s32 @!p1 $0x0  }
0x14: {  	s2 =	sld [smem:$0x3F94];
	s0 =	simm.s32 @p1 $0x1  }
0x15: {  	[smem:$0x3FB1] =	sst s0;
	s0 =	simm.s32 @!p2 $0x0  }
0x16: {  	s3 =	sld [smem:$0x3FDB];
	s0 =	simm.s32 @p2 $0x1  }
0x17: {  	s4 =	simm.s32 $0x1BF5;
	[smem:$0x3FB3] =	sst s0  }
0x18: {  	s0 =	sld [smem:$0x3F96];
	_ =	swait.ge [sflag:s4], $0x0  }
0x19: {  	s7 =	sld [smem:$0x3F97]  }
0x1a: {  	s8 =	sadd.s32 $0xFFFFE003, lr  }
0x1b: {  	s9 =	sadd.s32 $0xFFFFFEF7, lr;
	s5 =	simm.s32 $0xFFFFFFFF;
	p2 =	slt.u32 s8, $0xFFFFF086  }
0x1c: {  	p1 =	slt.u32 s9, $0xF7A;
	s5 =	simm.s32 @!p2 $0x0  }
0x1d: {  	s5 =	simm.s32 @p1 $0x1;
	p0 =	seq.s32 s7, s2  }
0x1e: {  	s7 =	smul.u32 @!p0 $0xF7A, s2;
	p2 =	seq.s32 @!p0 s5, $0x0  }
0x1f: {  	s9 =	smul.u32 $0xF7A, s1;
	s8 =	simm.s32 @!p0 $0x1BF5;
	p2 =	por !p2, p0  }
0x20: {  	[sflag:s8] =	ssyncset.s32 @!p0 $0xFFFFF086;
	s6 =	sadd.s32 @!p0 s3, s7;
	s7 =	simm.s32 @!p0 $0x108  }
0x21: {  	s3 =	sadd.s32 s3, s9;
	s6 =	sadd.s32 @!p0 $0x88, s6;
	s7 =	simm.s32 @p2 $0x1082  }
0x22: {  	[simem:s7], [sflag:s8] =	dma.local @!p0 [hbm:s6], $0xF7A  }
0x23: {  	s9 =	sor.u32 $0xD0000000, s2;
	s6 =	simm.s32 $0x108;
	_ =	swait.ge @!p0 [sflag:s8], $0x0  }
0x24: {  	s3 =	sadd.s32 $0x88, s3;
	s6 =	simm.s32 @!p1 $0x1082;
	[sflag:s4] =	ssyncset.s32 $0xFFFFF086  }
0x25: {  	[simem:s6], [sflag:s4] =	dma.local [hbm:s3], $0xF7A  }
0x26: {  	[smem:$0x3F97] =	sst s1;
	(tag) =	ssettag s2;
	_ =	strace s9  }
0x27: {  	s1 =	sld [smem:$0x3FA7]  }
0x28: {  	s2 =	sld [smem:$0x3FA8]  }
0x29: {  	s4 =	sld [smem:$0x3FAA]  }
0x2a: {  	p0 =	seq.s32 s5, $0x0;
	s5 =	sld [smem:$0x3FAB]  }
0x2b: {  	s6 =	sld [smem:$0x3FAC]  }
0x2c: {  	s7 =	sld [smem:$0x3FAD]  }
0x2d: {  	s3 =	simm.s32 $0x108;
	s8 =	sld [smem:$0x3FAE]  }
0x2e: {  	s3 =	simm.s32 @!p0 $0x1082;
	s9 =	sld [smem:$0x3FAF]  }
0x2f: {  	lr =	sadd.s32 s0, s3;
	s0 =	sld [smem:$0x3FA6]  }
0x30: {  	s3 =	sld [smem:$0x3FA9]  }
0x31: {  	[smem:$0x3FB2] =	sst s10  }
0x32: {  	s10 =	sld [smem:$0x3FB0];
	_ =	sdelay $0x3  }
0x33: {  	p0 =	seq.s32 s10, $0x1;
	s10 =	sld [smem:$0x3FB2];
	_ =	sdelay $0x3  }
0x34: {  	[smem:$0x3FB2] =	sst s10  }
0x35: {  	s10 =	sld [smem:$0x3FB1];
	_ =	sdelay $0x3  }
0x36: {  	p1 =	seq.s32 s10, $0x1;
	s10 =	sld [smem:$0x3FB2];
	_ =	sdelay $0x3  }
0x37: {  	[smem:$0x3FB2] =	sst s10  }
0x38: {  	s10 =	sld [smem:$0x3FB3]  }
0x39: {  	_ = 	snop;
	(pc) =	sbr.ind lr, $3  }
0x3a: {  	_ = 	snop  }
0x3b: {  	_ = 	snop  }
0x3c: {  	p2 =	seq.s32 s10, $0x1;
	s10 =	sld [smem:$0x3FB2]  }
0x3d: {  	_ =	shalt  }
0x3e: {  	_ =	shalt  }
0x3f: {  	_ =	shalt  }
0x40: {  	_ =	shalt  }
0x41: {  	_ =	shalt  }
0x42: {  	_ =	shalt  }
0x43: {  	_ =	shalt  }
0x44: {  	_ =	shalt  }
0x45: {  	_ =	shalt  }
0x46: {  	_ =	shalt  }
0x47: {  	_ =	shalt  }
0x48: {  	_ =	shalt  }
0x49: {  	_ =	shalt  }
0x4a: {  	_ =	shalt  }
0x4b: {  	_ =	shalt  }
0x4c: {  	_ =	shalt  }
0x4d: {  	_ =	shalt  }
0x4e: {  	_ =	shalt  }
0x4f: {  	_ =	shalt  }
0x50: {  	_ =	shalt  }
0x51: {  	_ =	shalt  }
0x52: {  	_ =	shalt  }
0x53: {  	_ =	shalt  }
0x54: {  	_ =	shalt  }
0x55: {  	_ =	shalt  }
0x56: {  	_ =	shalt  }
0x57: {  	_ =	shalt  }
0x58: {  	_ =	shalt  }
0x59: {  	_ =	shalt  }
0x5a: {  	_ =	shalt  }
0x5b: {  	_ =	shalt  }
0x5c: {  	_ =	shalt  }
0x5d: {  	_ =	shalt  }
0x5e: {  	_ =	shalt  }
0x5f: {  	_ =	shalt  }
0x60: {  	_ =	shalt  }
0x61: {  	_ =	shalt  }
0x62: {  	_ =	shalt  }
0x63: {  	_ =	shalt  }
0x64: {  	_ =	shalt  }
0x65: {  	_ =	shalt  }
0x66: {  	_ =	shalt  }
0x67: {  	_ =	shalt  }
0x68: {  	_ =	shalt  }
0x69: {  	_ =	shalt  }
0x6a: {  	_ =	shalt  }
0x6b: {  	_ =	shalt  }
0x6c: {  	_ =	shalt  }
0x6d: {  	_ =	shalt  }
0x6e: {  	_ =	shalt  }
0x6f: {  	_ =	shalt  }
0x70: {  	_ =	shalt  }
0x71: {  	_ =	shalt  }
0x72: {  	_ =	shalt  }
0x73: {  	_ =	shalt  }
0x74: {  	_ =	shalt  }
0x75: {  	_ =	shalt  }
0x76: {  	_ =	shalt  }
0x77: {  	_ =	shalt  }
0x78: {  	_ =	shalt  }
0x79: {  	_ =	shalt  }
0x7a: {  	_ =	shalt  }
0x7b: {  	_ =	shalt  }
0x7c: {  	_ =	shalt  }
0x7d: {  	_ =	shalt  }
0x7e: {  	_ =	shalt  }
0x7f: {  	_ =	shalt  }
0x80: {  	_ =	shalt  }
0x81: {  	_ =	shalt  }
0x82: {  	_ =	shalt  }
0x83: {  	_ =	shalt  }
0x84: {  	_ =	shalt  }
0x85: {  	_ =	shalt  }
0x86: {  	_ =	shalt  }
0x87: {  	_ =	shalt  }
.Lfunc_end0:
.L_simem_size_0:
called_computation.2_lowered:
.L_overlay_start_0:
0x88: {  	s2 =	sld [smem:$0x3FD9]  }
0x89: {  	s3 =	sld [smem:$0x3FFE];
	_ =	sdelay $0x1  }
0x8a: {  	s1 =	srdreg.scid  }
0x8b: {  	s0 =	sand.u32 $0x1, s1  }
0x8c: {  	s14 =	sshll.u32 s0, $0xA;
	s2 =	sadd.s32 s3, s2  }
0x8d: {  	s2 =	sadd.s32 s2, s14  }
0x8e: {  	[smem:$0x3FBE] =	sst s2  }
0x8f: {  	_ = 	snop  }
0x90: {  	s2 =	sld [smem:$0x3FD0];
	_ =	sdelay $0x2  }
0x91: {  	s15 =	simm.s32 $0xA;
	s4 =	simm.s32 $0x10  }
0x92: {  	[smem:s4], [sflag:s15] =	dma.local [hbm:s2], $0x1  }
0x93: {  	_ =	swait.eq [sflag:s15], $0x1  }
0x94: {  	[sflag:s15] =	ssyncset.done $0x0  }
0x95: {  	s16 =	sld [smem:$0x11];
	[sflag:s15] =	ssyncadd.s32 $0xFFFFFFFF  }
0x96: {  	s17 =	sld [smem:$0x12];
	(tm) =	ssettm $0x1  }
0x97: {  	s18 =	sld [smem:$0x3FFB];
	_ =	sdelay $0x3  }
0x98: {  	_ =	strace s18  }
0x99: {  	s4 =	sld [smem:$0x3FFC];
	_ =	sdelay $0x3  }
0x9a: {  	_ =	strace s4  }
0x9b: {  	s4 =	sld [smem:$0x3FFD];
	_ =	sdelay $0x3  }
0x9c: {  	_ =	strace s4  }
0x9d: {  	_ =	strace $0x8FFFFFFF  }
0x9e: {  	s19 =	sld [smem:$0x3FDB];
	_ =	sdelay $0x1  }
0x9f: {  	s5 =	simm.s32 $_scs_section_size  }
0xa0: {  	s6 =	simm.s32 $_size__tile_overlayer_lowered;
	s7 =	simm.s32 $_tile_overlayer_lowered  }
0xa1: {  	s22 =	simm.s32 $0x1BFF;
	s21 =	sshll.u32 s7, $0x1;
	s4 =	sadd.s32 s5, s19  }
0xa2: {  	s8 =	simm.s32 $0x0;
	s20 =	sshll.u32 s6, $0x1;
	s6 =	sadd.s32 s21, s4  }
0xa3: {  	[timem:s8], [sflag:s22] =	dma.local [hbm:s6], s20  }
0xa4: {  	_ =	swait.ge [sflag:s22], s20  }
0xa5: {  	s5 =	ssub.s32 $0x0, s20;
	[sflag:s22] =	ssyncset.done $0x0  }
0xa6: {  	[sflag:s22] =	ssyncadd.s32 s5;
	_ =	sdelay $0x1  }
0xa7: {  	s23 =	simm.s32 $0x1B8B  }
0xa8: {  	_ =	swait.ge [sflag:s23], $0x1  }
0xa9: {  	[sflag:s23] =	ssyncset.done $0x0  }
0xaa: {  	s25 =	simm.s32 $0x1B8E;
	s24 =	sld [smem:$0x3FFE];
	[sflag:s23] =	ssyncadd.s32 $0xFFFFFFFF  }
0xab: {  	s26 =	simm.s32 $execute0_lowered;
	[smem:$0x3FD2] =	sst s25  }
0xac: {  	s6 =	sshll.u32 s26, $0x1;
	_ =	strace $0x8000004C;
	[dreg:$0x1] =	wrdreg $0xFFFFFFFF  }
0xad: {  	s28 =	simm.s32 $_size_execute0_lowered;
	s4 =	sadd.s32 s4, s6;
	[dreg:$0x0] =	wrdreg $0x0  }
0xae: {  	s6 =	sshll.u32 s28, $0x1;
	[dreg:$0x2] =	wrdreg s4  }
0xaf: {  	[dreg:$0x3] =	wrdreg s6  }
0xb0: {  	[dreg:$0x4] =	wrdreg $0xC0  }
0xb1: {  	_ =	task [dreg:s8], $0x5FFFF  }
0xb2: {  	[dreg:$0x1] =	wrdreg $0xFFFFFFFF  }
0xb3: {  	[dreg:$0x0] =	wrdreg $0x60  }
0xb4: {  	[dreg:$0x2] =	wrdreg s17  }
0xb5: {  	[dreg:$0x3] =	wrdreg s16  }
0xb6: {  	[dreg:$0x4] =	wrdreg s24  }
0xb7: {  	[dreg:$0x5] =	wrdreg $0x8F000  }
0xb8: {  	[dreg:$0x6] =	wrdreg $0x9  }
0xb9: {  	_ =	task.clear_ibuf [dreg:s8], $0x7FFFF;
	_ =	strace $0x9000004C  }
0xba: {  	s29 =	simm.s32 $0x9;
	_ =	strace $0x8000004E  }
0xbb: {  	_ =	swait.ge [sflag:s29], $0x1  }
0xbc: {  	[sflag:s29] =	ssyncadd.s32 $0xFFFFFFFF  }
0xbd: {  	_ =	strace $0x9000004E  }
0xbe: {  	_ =	sfence  }
0xbf: {  	s30 =	sld [smem:$0x0];
	_ =	sdelay $0x2  }
0xc0: {  	s31 =	sshll.u32 s1, $0xD;
	s1 =	sshrl.u32 s1, $0x2  }
0xc1: {  	s3 =	sand.u32 $0x4000, s31;
	s1 =	sadd.s32 s1, s30  }
0xc2: {  	s0 =	sor.u32 s3, s0;
	s1 =	sshll.u32 s1, $0x11  }
0xc3: {  	s0 =	sor.u32 s1, s0  }
0xc4: {  	s0 =	sadd.s32 $0x8F2B, s0  }
0xc5: {  	[sflag:s0] =	ssyncadd.remote.s32 $0x1  }
0xc6: {  	_ =	sfence.sel $0xFFFF  }
0xc7: {  	[dreg:$0x0] =	wrdreg $0xFFFFFFFF;
	(pc) =	sbr.abs _section_cstart, $3  }
0xc8: {  	[dreg:$0x1] =	wrdreg $0xFFFFFFFF  }
0xc9: {  	_ =	task.clear_ibuf [dreg:s8], $0x2FFFF;
	_ =	strace $0x9FFFFFFF  }
0xca: {  	(tm) =	ssettm $0x7FFFFFFF  }
0xcb: {  	_ =	shalt  }
tec
execute0_lowered:
.L_overlay_start_1:
0x0: {  	(tag) =	ssettag $0x1  }
0x1: {  	s1 =	rddreg [dreg:$0x0]  }
0x2: {  	s2 =	rddreg [dreg:$0x1]  }
0x3: {  	s7 =	rddreg [dreg:$0x2]  }
0x4: {  	s4 =	rddreg [dreg:$0x3]  }
0x5: {  	s0 =	rddreg [dreg:$0x4];
	s5 =	simm.s32 $0x0;
	s3 =	stileid.u32  }
0x6: {  	s8 =	srdreg.scid;
	s16 =	simm.s32 $0x2;
	s17 =	simm.s32 $0x2780  }
0x7: {  	s18 =	simm.s32 $0x1;
	s19 =	simm.s32 $0x80;
	s20 =	simm.s32 $0x4F00  }
0x8: {  	[smem:$0x7FF] =	sst s5;
	s6 =	smul.u32 $0x4F0, s3;
	s8 =	sand.u32 $0x1, s8  }
0x9: {  	s10 =	smul.u32 $0x13880, s3;
	s21 =	sshll.u32 s3, $0x6;
	_ =	strace $0x8000004D  }
0xa: {  	s9 =	ssub.s32 $0x2, s8;
	p0 =	seq.s32 s8, $0x1;
	s14 =	sor.u32 $0x1C01, s21  }
.Ltmp0:
0xb: {  	s21 =	sor.u32 $0x1C02, s21;
	s11 =	sadd.s32 s6, s7;
	(pc) =	sbr.rel .LBB2_1-.Ltmp0, $4  }
0xc: {  	s6 =	sadd.s32 $0xDC00, s7;
	s7 =	sadd.s32 $0x34E00, s7;
	s12 =	sshrl.u32 s9, $0x1  }
0xd: {  	s8 =	sshrl.u32 s10, $0x3;
	s15 =	sadd.s32 s10, s4;
	s13 =	ssub.s32 s9, s12  }
0xe: {  	s9 =	sadd.s32 s1, s8;
	s10 =	sadd.s32 $0x3C00, s11;
	s11 =	sadd.s32 $0x8C00, s11  }
0xf: {  	s12 =	sadd.s32 s2, s8;
	s15 =	sshrl.u32 s15, $0x3;
	s13 =	smax.u32 s13, $0x1  }
.LBB2_7:
0x10: {  	s22 =	sshra.s32 s22, $0x2;
	[sflag:s16] =	ssyncadd.s32 $0xFFFFC000  }
0x11: {  	[tilespmem:s20], [sflag:$0x1] =	stream.indirect.gather [hbm4b:s2+s19], $0x80, s22, s19, $0xb8;
	[tilespmem:$0x1CF00] =	vst v63  }
0x12: {  	_ =	swait.ge [sflag:s18], $0x4000  }
0x13: {  	[sflag:s18] =	ssyncset.done $0x0  }
0x14: {  	s22 =	sadd.s32 $0x2780, s22;
	[sflag:s18] =	ssyncadd.s32 $0xFFFFC000  }
0x15: {  	[spmem:s4] =	stream.indirect.scatter.add.f32 [tilespmem:s20], [sflag:$0x2], $0x80, s22, s19, $0xb8;
	[tilespmem:$0x1CF00] =	vst v63  }
0x16: {  	_ =	swait.ge [sflag:s16], $0x4000  }
0x17: {  	[sflag:s16] =	ssyncset.done $0x0  }
0x18: {  	s22 =	smov.u32 s7;
	[sflag:s16] =	ssyncadd.s32 $0xFFFFC000  }
.LBB2_8:
0x19: {  	s5 =	sadd.s32 $0x1, s5  }
0x1a: {  	p1 =	sne.s32 s5, s13  }
.Ltmp1:
0x1b: {  	s22 =	sadd.s32 s22, s8;
	[bflag:$0x0] =	sbarrier.arrive $0xFFFF;
	(pc) =	sbr.rel @!p1 .LBB2_9-.Ltmp1, $4  }
0x1c: {  	[hbm:s22], [sflag:s21] =	dma.local [spmem:s15], $0x2710  }
0x1d: {  	_ =	swait.ge [sflag:s16], $0x2710  }
0x1e: {  	[sflag:s16] =	ssyncset.done $0x0  }
0x1f: {  	[sflag:s16] =	ssyncadd.s32 $0xFFFFD8F0  }
.LBB2_1:
.Ltmp2:
0x20: {  	(pc) =	sbr.rel @!p0 .LBB2_2-.Ltmp2, $1  }
0x21: {  	_ =	sdelay $0x3  }
0x22: {  	[spmem:s15], [sflag:s14] =	dma.local [hbm:s12], $0x2710  }
0x23: {  	s22 =	simm.s32 $0x0  }
0x24: {  	[tilespmem:s22], [sflag:$0x2] =	stream.linear.gather [hbm4b:s10+s22], $0x2780, $0x38;
	[tilespmem:$0x1CF00] =	vst v63  }
0x25: {  	_ =	swait.ge [sflag:s16], $0x2780  }
0x26: {  	[sflag:s16] =	ssyncset.done $0x0  }
0x27: {  	[sflag:s16] =	ssyncadd.s32 $0xFFFFD880  }
0x28: {  	[tilespmem:s17], [sflag:$0x2] =	stream.linear.gather [hbm4b:s11+s22], $0x2780, $0x38;
	[tilespmem:$0x1CF00] =	vst v63  }
0x29: {  	_ =	swait.ge [sflag:s16], $0x2780  }
0x2a: {  	[sflag:s16] =	ssyncset.done $0x0  }
0x2b: {  	[sflag:s16] =	ssyncadd.s32 $0xFFFFD880  }
0x2c: {  	_ =	swait.ge [sflag:s18], $0x2710  }
0x2d: {  	[sflag:s18] =	ssyncset.done $0x0  }
0x2e: {  	[sflag:s18] =	ssyncadd.s32 $0xFFFFD8F0  }
0x2f: {  	s30 =	simm.s32 $0x0;
	[bflag:$0x0] =	sbarrier.arrive $0xFFFF  }
0x30: {  	[tilespmem:s20], [sflag:$0x1] =	stream.indirect.gather [hbm4b:s2+s19], $0x80, s30, s19, $0xb8;
	[tilespmem:$0x1CF00] =	vst v63  }
0x31: {  	_ =	swait.ge [sflag:s18], $0x4000  }
0x32: {  	[sflag:s18] =	ssyncset.done $0x0  }
0x33: {  	s31 =	simm.s32 $0x2780;
	[sflag:s18] =	ssyncadd.s32 $0xFFFFC000  }
0x34: {  	[spmem:s4] =	stream.indirect.scatter.add.f32 [tilespmem:s20], [sflag:$0x2], $0x80, s31, s19, $0xb8;
	[tilespmem:$0x1CF00] =	vst v63  }
0x35: {  	_ =	swait.ge [sflag:s16], $0x4000  }
0x36: {  	s23 =	simm.s32 $0x400;
	s22 =	simm.s32 $0x200;
	[sflag:s16] =	ssyncset.done $0x0  }
.LBB2_6:
0x37: {  	s24 =	sshra.s32 s22, $0x2  }
0x38: {  	[sflag:s16] =	ssyncadd.s32 $0xFFFFC000;
	s22 =	smov.u32 s23;
	s25 =	sadd.s32 $0x200, s23  }
0x39: {  	[tilespmem:s20], [sflag:$0x1] =	stream.indirect.gather [hbm4b:s2+s19], $0x80, s24, s19, $0xb8;
	[tilespmem:$0x1CF00] =	vst v63  }
0x3a: {  	p1 =	sne.s32 s23, $0x9C00;
	_ =	swait.ge [sflag:s18], $0x4000  }
.Ltmp3:
0x3b: {  	[sflag:s18] =	ssyncset.done $0x0;
	(pc) =	sbr.rel @p1 .LBB2_6-.Ltmp3, $4  }
0x3c: {  	s23 =	sadd.s32 $0x2780, s24;
	[sflag:s18] =	ssyncadd.s32 $0xFFFFC000  }
0x3d: {  	[spmem:s4] =	stream.indirect.scatter.add.f32 [tilespmem:s20], [sflag:$0x2], $0x80, s23, s19, $0xb8;
	[tilespmem:$0x1CF00] =	vst v63  }
0x3e: {  	_ =	swait.ge [sflag:s16], $0x4000  }
0x3f: {  	s23 =	smov.u32 s25;
	[sflag:s16] =	ssyncset.done $0x0  }
.Ltmp4:
0x40: {  	_ = 	snop;
	(pc) =	sbr.rel .LBB2_7-.Ltmp4, $1  }
0x41: {  	_ =	sdelay $0x3  }
.LBB2_2:
0x42: {  	[spmem:s15], [sflag:s14] =	dma.local [hbm:s9], $0x2710  }
0x43: {  	s22 =	simm.s32 $0x0  }
0x44: {  	[tilespmem:s22], [sflag:$0x2] =	stream.linear.gather [hbm4b:s10+s22], $0x2780, $0x38;
	[tilespmem:$0x1CF00] =	vst v63  }
0x45: {  	_ =	swait.ge [sflag:s16], $0x2780  }
0x46: {  	[sflag:s16] =	ssyncset.done $0x0  }
0x47: {  	[sflag:s16] =	ssyncadd.s32 $0xFFFFD880  }
0x48: {  	[tilespmem:s17], [sflag:$0x2] =	stream.linear.gather [hbm4b:s11+s22], $0x2780, $0x38;
	[tilespmem:$0x1CF00] =	vst v63  }
0x49: {  	_ =	swait.ge [sflag:s16], $0x2780  }
0x4a: {  	[sflag:s16] =	ssyncset.done $0x0  }
0x4b: {  	[sflag:s16] =	ssyncadd.s32 $0xFFFFD880  }
0x4c: {  	_ =	swait.ge [sflag:s18], $0x2710  }
0x4d: {  	[sflag:s18] =	ssyncset.done $0x0  }
0x4e: {  	[sflag:s18] =	ssyncadd.s32 $0xFFFFD8F0  }
0x4f: {  	s30 =	simm.s32 $0x0;
	[bflag:$0x0] =	sbarrier.arrive $0xFFFF  }
0x50: {  	[tilespmem:s20], [sflag:$0x1] =	stream.indirect.gather [hbm4b:s1+s19], $0x80, s30, s19, $0xb8;
	[tilespmem:$0x1CF00] =	vst v63  }
0x51: {  	_ =	swait.ge [sflag:s18], $0x4000  }
0x52: {  	[sflag:s18] =	ssyncset.done $0x0  }
0x53: {  	s31 =	simm.s32 $0x2780;
	[sflag:s18] =	ssyncadd.s32 $0xFFFFC000  }
0x54: {  	[spmem:s4] =	stream.indirect.scatter.add.f32 [tilespmem:s20], [sflag:$0x2], $0x80, s31, s19, $0xb8;
	[tilespmem:$0x1CF00] =	vst v63  }
0x55: {  	_ =	swait.ge [sflag:s16], $0x4000  }
0x56: {  	s23 =	simm.s32 $0x400;
	s22 =	simm.s32 $0x200;
	[sflag:s16] =	ssyncset.done $0x0  }
.LBB2_3:
0x57: {  	s24 =	sshra.s32 s22, $0x2  }
0x58: {  	[sflag:s16] =	ssyncadd.s32 $0xFFFFC000;
	s22 =	smov.u32 s23;
	s25 =	sadd.s32 $0x200, s23  }
0x59: {  	[tilespmem:s20], [sflag:$0x1] =	stream.indirect.gather [hbm4b:s1+s19], $0x80, s24, s19, $0xb8;
	[tilespmem:$0x1CF00] =	vst v63  }
0x5a: {  	p1 =	seq.s32 s23, $0x9C00;
	_ =	swait.ge [sflag:s18], $0x4000  }
.Ltmp5:
0x5b: {  	[sflag:s18] =	ssyncset.done $0x0;
	(pc) =	sbr.rel @!p1 .LBB2_3-.Ltmp5, $4  }
0x5c: {  	s23 =	sadd.s32 $0x2780, s24;
	[sflag:s18] =	ssyncadd.s32 $0xFFFFC000  }
0x5d: {  	[spmem:s4] =	stream.indirect.scatter.add.f32 [tilespmem:s20], [sflag:$0x2], $0x80, s23, s19, $0xb8;
	[tilespmem:$0x1CF00] =	vst v63  }
0x5e: {  	_ =	swait.ge [sflag:s16], $0x4000  }
0x5f: {  	s23 =	smov.u32 s25;
	[sflag:s16] =	ssyncset.done $0x0  }
0x60: {  	s22 =	sshra.s32 s22, $0x2;
	[sflag:s16] =	ssyncadd.s32 $0xFFFFC000  }
0x61: {  	[tilespmem:s20], [sflag:$0x1] =	stream.indirect.gather [hbm4b:s1+s19], $0x80, s22, s19, $0xb8;
	[tilespmem:$0x1CF00] =	vst v63  }
0x62: {  	_ =	swait.ge [sflag:s18], $0x4000  }
0x63: {  	[sflag:s18] =	ssyncset.done $0x0  }
.Ltmp6:
0x64: {  	s22 =	sadd.s32 $0x2780, s22;
	[sflag:s18] =	ssyncadd.s32 $0xFFFFC000;
	(pc) =	sbr.rel .LBB2_8-.Ltmp6, $4  }
0x65: {  	[spmem:s4] =	stream.indirect.scatter.add.f32 [tilespmem:s20], [sflag:$0x2], $0x80, s22, s19, $0xb8;
	[tilespmem:$0x1CF00] =	vst v63  }
0x66: {  	_ =	swait.ge [sflag:s16], $0x4000  }
0x67: {  	[sflag:s16] =	ssyncset.done $0x0  }
0x68: {  	s22 =	smov.u32 s6;
	[sflag:s16] =	ssyncadd.s32 $0xFFFFC000  }
.LBB2_9:
0x69: {  	_ =	sfence.sel $0x180000  }
0x6a: {  	[bflag:$0x0] =	sbarrier.arrive $0xFFFF  }
0x6b: {  	p0 =	sne.s32 s3, $0x0;
	_ =	strace $0x9000004D  }
0x6c: {  	s0 =	sadd.s32 @!p0 $0x100000, s0;
	[bflag:$0x2] =	sbarrier.arrive $0xFFFF  }
0x6d: {  	[sflag:s0] =	ssyncadd.tile.s32 @!p0 $0x1;
	_ =	shalt  }
.Lfunc_end2:
_tile_overlayer_lowered:
.L_overlay_start_2:
0x6e: {  	(tag) =	ssettag $0x2  }
0x6f: {  	s0 =	rddreg [dreg:$0x0];
	s2 =	stileid.u32  }
0x70: {  	s1 =	rddreg [dreg:$0x1];
	p0 =	sne.s32 s2, $0x0  }
0x71: {  	s3 =	rddreg [dreg:$0x2];
	[bflag:$0x3] =	sbarrier.arrive $0xFFFF;
	s2 =	simm.s32 @!p0 $0x1C02  }
0x72: {  	[timem:s3], [sflag:s2] =	dma.local @!p0 [hbm:s0], s1  }
0x73: {  	s0 =	simm.s32 @!p0 $0x2  }
0x74: {  	_ =	swait.ge @!p0 [sflag:s0], s1  }
0x75: {  	s1 =	ssub.s32 @!p0 $0x0, s1;
	[sflag:s0] =	ssyncset.done @!p0 $0x0  }
0x76: {  	[sflag:s0] =	ssyncadd.s32 @!p0 s1  }
0x77: {  	[bflag:$0x3] =	sbarrier.arrive $0xFFFF  }
0x78: {  	_ =	shalt  }

// kernel: kernel.8.cloned.1.call-start
scs
__scs_entry_jumppad:
0x0: {  	(pc) =	sbr.rel $0x88, $3  }
0x1: {  	(tag) =	ssettag $0x0;
	lr =	simm.s32 $0x1  }
0x2: {  	[smem:$0x3F97] =	sst lr;
	_ =	strace $0xD0000000  }
0x3: {  	_ = 	snop  }
0x4: {  	_ = 	snop  }
0x5: {  	_ = 	snop  }
0x6: {  	_ = 	snop  }
0x7: {  	_ = 	snop  }
__scs_overlays_trampoline_lowered:
0x8: {  	[smem:$0x3FA6] =	sst s0  }
0x9: {  	[smem:$0x3FA7] =	sst s1  }
0xa: {  	[smem:$0x3FA8] =	sst s2  }
0xb: {  	[smem:$0x3FA9] =	sst s3  }
0xc: {  	[smem:$0x3FAA] =	sst s4  }
0xd: {  	[smem:$0x3FAB] =	sst s5  }
0xe: {  	[smem:$0x3FAC] =	sst s6  }
0xf: {  	[smem:$0x3FAD] =	sst s7  }
0x10: {  	[smem:$0x3FAE] =	sst s8  }
0x11: {  	[smem:$0x3FAF] =	sst s9;
	s0 =	simm.s32 @!p0 $0x0  }
0x12: {  	s1 =	sld [smem:$0x3F95];
	s0 =	simm.s32 @p0 $0x1  }
0x13: {  	[smem:$0x3FB0] =	sst s0;
	s0 =	simm.s32 @!p1 $0x0  }
0x14: {  	s2 =	sld [smem:$0x3F94];
	s0 =	simm.s32 @p1 $0x1  }
0x15: {  	[smem:$0x3FB1] =	sst s0;
	s0 =	simm.s32 @!p2 $0x0  }
0x16: {  	s3 =	sld [smem:$0x3FDB];
	s0 =	simm.s32 @p2 $0x1  }
0x17: {  	s4 =	simm.s32 $0x1BF5;
	[smem:$0x3FB3] =	sst s0  }
0x18: {  	s0 =	sld [smem:$0x3F96];
	_ =	swait.ge [sflag:s4], $0x0  }
0x19: {  	s7 =	sld [smem:$0x3F97]  }
0x1a: {  	s8 =	sadd.s32 $0xFFFFE003, lr  }
0x1b: {  	s9 =	sadd.s32 $0xFFFFFEF7, lr;
	s5 =	simm.s32 $0xFFFFFFFF;
	p2 =	slt.u32 s8, $0xFFFFF086  }
0x1c: {  	p1 =	slt.u32 s9, $0xF7A;
	s5 =	simm.s32 @!p2 $0x0  }
0x1d: {  	s5 =	simm.s32 @p1 $0x1;
	p0 =	seq.s32 s7, s2  }
0x1e: {  	s7 =	smul.u32 @!p0 $0xF7A, s2;
	p2 =	seq.s32 @!p0 s5, $0x0  }
0x1f: {  	s9 =	smul.u32 $0xF7A, s1;
	s8 =	simm.s32 @!p0 $0x1BF5;
	p2 =	por !p2, p0  }
0x20: {  	[sflag:s8] =	ssyncset.s32 @!p0 $0xFFFFF086;
	s6 =	sadd.s32 @!p0 s3, s7;
	s7 =	simm.s32 @!p0 $0x108  }
0x21: {  	s3 =	sadd.s32 s3, s9;
	s6 =	sadd.s32 @!p0 $0x88, s6;
	s7 =	simm.s32 @p2 $0x1082  }
0x22: {  	[simem:s7], [sflag:s8] =	dma.local @!p0 [hbm:s6], $0xF7A  }
0x23: {  	s9 =	sor.u32 $0xD0000000, s2;
	s6 =	simm.s32 $0x108;
	_ =	swait.ge @!p0 [sflag:s8], $0x0  }
0x24: {  	s3 =	sadd.s32 $0x88, s3;
	s6 =	simm.s32 @!p1 $0x1082;
	[sflag:s4] =	ssyncset.s32 $0xFFFFF086  }
0x25: {  	[simem:s6], [sflag:s4] =	dma.local [hbm:s3], $0xF7A  }
0x26: {  	[smem:$0x3F97] =	sst s1;
	(tag) =	ssettag s2;
	_ =	strace s9  }
0x27: {  	s1 =	sld [smem:$0x3FA7]  }
0x28: {  	s2 =	sld [smem:$0x3FA8]  }
0x29: {  	s4 =	sld [smem:$0x3FAA]  }
0x2a: {  	p0 =	seq.s32 s5, $0x0;
	s5 =	sld [smem:$0x3FAB]  }
0x2b: {  	s6 =	sld [smem:$0x3FAC]  }
0x2c: {  	s7 =	sld [smem:$0x3FAD]  }
0x2d: {  	s3 =	simm.s32 $0x108;
	s8 =	sld [smem:$0x3FAE]  }
0x2e: {  	s3 =	simm.s32 @!p0 $0x1082;
	s9 =	sld [smem:$0x3FAF]  }
0x2f: {  	lr =	sadd.s32 s0, s3;
	s0 =	sld [smem:$0x3FA6]  }
0x30: {  	s3 =	sld [smem:$0x3FA9]  }
0x31: {  	[smem:$0x3FB2] =	sst s10  }
0x32: {  	s10 =	sld [smem:$0x3FB0];
	_ =	sdelay $0x3  }
0x33: {  	p0 =	seq.s32 s10, $0x1;
	s10 =	sld [smem:$0x3FB2];
	_ =	sdelay $0x3  }
0x34: {  	[smem:$0x3FB2] =	sst s10  }
0x35: {  	s10 =	sld [smem:$0x3FB1];
	_ =	sdelay $0x3  }
0x36: {  	p1 =	seq.s32 s10, $0x1;
	s10 =	sld [smem:$0x3FB2];
	_ =	sdelay $0x3  }
0x37: {  	[smem:$0x3FB2] =	sst s10  }
0x38: {  	s10 =	sld [smem:$0x3FB3]  }
0x39: {  	_ = 	snop;
	(pc) =	sbr.ind lr, $3  }
0x3a: {  	_ = 	snop  }
0x3b: {  	_ = 	snop  }
0x3c: {  	p2 =	seq.s32 s10, $0x1;
	s10 =	sld [smem:$0x3FB2]  }
0x3d: {  	_ =	shalt  }
0x3e: {  	_ =	shalt  }
0x3f: {  	_ =	shalt  }
0x40: {  	_ =	shalt  }
0x41: {  	_ =	shalt  }
0x42: {  	_ =	shalt  }
0x43: {  	_ =	shalt  }
0x44: {  	_ =	shalt  }
0x45: {  	_ =	shalt  }
0x46: {  	_ =	shalt  }
0x47: {  	_ =	shalt  }
0x48: {  	_ =	shalt  }
0x49: {  	_ =	shalt  }
0x4a: {  	_ =	shalt  }
0x4b: {  	_ =	shalt  }
0x4c: {  	_ =	shalt  }
0x4d: {  	_ =	shalt  }
0x4e: {  	_ =	shalt  }
0x4f: {  	_ =	shalt  }
0x50: {  	_ =	shalt  }
0x51: {  	_ =	shalt  }
0x52: {  	_ =	shalt  }
0x53: {  	_ =	shalt  }
0x54: {  	_ =	shalt  }
0x55: {  	_ =	shalt  }
0x56: {  	_ =	shalt  }
0x57: {  	_ =	shalt  }
0x58: {  	_ =	shalt  }
0x59: {  	_ =	shalt  }
0x5a: {  	_ =	shalt  }
0x5b: {  	_ =	shalt  }
0x5c: {  	_ =	shalt  }
0x5d: {  	_ =	shalt  }
0x5e: {  	_ =	shalt  }
0x5f: {  	_ =	shalt  }
0x60: {  	_ =	shalt  }
0x61: {  	_ =	shalt  }
0x62: {  	_ =	shalt  }
0x63: {  	_ =	shalt  }
0x64: {  	_ =	shalt  }
0x65: {  	_ =	shalt  }
0x66: {  	_ =	shalt  }
0x67: {  	_ =	shalt  }
0x68: {  	_ =	shalt  }
0x69: {  	_ =	shalt  }
0x6a: {  	_ =	shalt  }
0x6b: {  	_ =	shalt  }
0x6c: {  	_ =	shalt  }
0x6d: {  	_ =	shalt  }
0x6e: {  	_ =	shalt  }
0x6f: {  	_ =	shalt  }
0x70: {  	_ =	shalt  }
0x71: {  	_ =	shalt  }
0x72: {  	_ =	shalt  }
0x73: {  	_ =	shalt  }
0x74: {  	_ =	shalt  }
0x75: {  	_ =	shalt  }
0x76: {  	_ =	shalt  }
0x77: {  	_ =	shalt  }
0x78: {  	_ =	shalt  }
0x79: {  	_ =	shalt  }
0x7a: {  	_ =	shalt  }
0x7b: {  	_ =	shalt  }
0x7c: {  	_ =	shalt  }
0x7d: {  	_ =	shalt  }
0x7e: {  	_ =	shalt  }
0x7f: {  	_ =	shalt  }
0x80: {  	_ =	shalt  }
0x81: {  	_ =	shalt  }
0x82: {  	_ =	shalt  }
0x83: {  	_ =	shalt  }
0x84: {  	_ =	shalt  }
0x85: {  	_ =	shalt  }
0x86: {  	_ =	shalt  }
0x87: {  	_ =	shalt  }
.Lfunc_end0:
.L_simem_size_0:
called_computation_lowered:
.L_overlay_start_0:
0x88: {  	s2 =	sld [smem:$0x3FD9]  }
0x89: {  	s3 =	sld [smem:$0x3FFE];
	_ =	sdelay $0x1  }
0x8a: {  	s1 =	srdreg.scid  }
0x8b: {  	s0 =	sand.u32 $0x1, s1  }
0x8c: {  	s15 =	sshll.u32 s0, $0xA;
	s2 =	sadd.s32 s3, s2  }
0x8d: {  	s2 =	sadd.s32 s2, s15  }
0x8e: {  	[smem:$0x3FBE] =	sst s2  }
0x8f: {  	_ = 	snop  }
0x90: {  	s2 =	sld [smem:$0x3FD0];
	_ =	sdelay $0x2  }
0x91: {  	s16 =	simm.s32 $0xA;
	s4 =	simm.s32 $0x10  }
0x92: {  	[smem:s4], [sflag:s16] =	dma.local [hbm:s2], $0x1  }
0x93: {  	_ =	swait.eq [sflag:s16], $0x1  }
0x94: {  	[sflag:s16] =	ssyncset.done $0x0  }
0x95: {  	s17 =	sld [smem:$0x11];
	[sflag:s16] =	ssyncadd.s32 $0xFFFFFFFF  }
0x96: {  	s18 =	sld [smem:$0x12];
	(tm) =	ssettm $0x1  }
0x97: {  	s19 =	sld [smem:$0x3FFB];
	_ =	sdelay $0x3  }
0x98: {  	_ =	strace s19  }
0x99: {  	s4 =	sld [smem:$0x3FFC];
	_ =	sdelay $0x3  }
0x9a: {  	_ =	strace s4  }
0x9b: {  	s4 =	sld [smem:$0x3FFD];
	_ =	sdelay $0x3  }
0x9c: {  	_ =	strace s4  }
0x9d: {  	_ =	strace $0x8FFFFFFF  }
0x9e: {  	s20 =	sld [smem:$0x3FDB];
	_ =	sdelay $0x1  }
0x9f: {  	s5 =	simm.s32 $_scs_section_size  }
0xa0: {  	s6 =	simm.s32 $_size__tile_overlayer_lowered;
	s7 =	simm.s32 $_tile_overlayer_lowered  }
0xa1: {  	s23 =	simm.s32 $0x1BFF;
	s22 =	sshll.u32 s7, $0x1;
	s4 =	sadd.s32 s5, s20  }
0xa2: {  	s8 =	simm.s32 $0x0;
	s21 =	sshll.u32 s6, $0x1;
	s6 =	sadd.s32 s22, s4  }
0xa3: {  	[timem:s8], [sflag:s23] =	dma.local [hbm:s6], s21  }
0xa4: {  	_ =	swait.ge [sflag:s23], s21  }
0xa5: {  	s5 =	ssub.s32 $0x0, s21;
	[sflag:s23] =	ssyncset.done $0x0  }
0xa6: {  	[sflag:s23] =	ssyncadd.s32 s5;
	_ =	sdelay $0x1  }
0xa7: {  	s24 =	simm.s32 $0x1B8B  }
0xa8: {  	_ =	swait.ge [sflag:s24], $0x1  }
0xa9: {  	[sflag:s24] =	ssyncset.done $0x0  }
0xaa: {  	s25 =	simm.s32 $0x1B8E;
	[sflag:s24] =	ssyncadd.s32 $0xFFFFFFFF  }
0xab: {  	s26 =	simm.s32 $execute0_lowered;
	[smem:$0x3FD2] =	sst s25  }
0xac: {  	s5 =	sshll.u32 s26, $0x1;
	_ =	strace $0x80000046;
	[dreg:$0x1] =	wrdreg $0xFFFFFFFF  }
0xad: {  	s28 =	simm.s32 $_size_execute0_lowered;
	s4 =	sadd.s32 s4, s5;
	[dreg:$0x0] =	wrdreg $0x0  }
0xae: {  	s5 =	sshll.u32 s28, $0x1;
	[dreg:$0x2] =	wrdreg s4  }
0xaf: {  	[dreg:$0x3] =	wrdreg s5  }
0xb0: {  	[dreg:$0x4] =	wrdreg $0xC0  }
0xb1: {  	_ =	task [dreg:s8], $0x5FFFF  }
0xb2: {  	[dreg:$0x1] =	wrdreg $0xFFFFFFFF  }
0xb3: {  	[dreg:$0x0] =	wrdreg $0x60  }
0xb4: {  	[dreg:$0x2] =	wrdreg s17  }
0xb5: {  	[dreg:$0x3] =	wrdreg s18  }
0xb6: {  	[dreg:$0x4] =	wrdreg $0x9  }
0xb7: {  	_ =	task.clear_ibuf [dreg:s8], $0x5FFFF;
	_ =	strace $0x90000046  }
0xb8: {  	s29 =	simm.s32 $0x9;
	_ =	strace $0x80000048  }
0xb9: {  	_ =	swait.ge [sflag:s29], $0x1  }
0xba: {  	[sflag:s29] =	ssyncadd.s32 $0xFFFFFFFF  }
0xbb: {  	_ =	strace $0x90000048  }
0xbc: {  	_ =	sfence  }
0xbd: {  	s30 =	sld [smem:$0x0];
	_ =	sdelay $0x2  }
0xbe: {  	s31 =	sshll.u32 s1, $0xD;
	s1 =	sshrl.u32 s1, $0x2  }
0xbf: {  	s3 =	sand.u32 $0x4000, s31;
	s1 =	sadd.s32 s1, s30  }
0xc0: {  	s0 =	sor.u32 s3, s0;
	s1 =	sshll.u32 s1, $0x11  }
0xc1: {  	s0 =	sor.u32 s1, s0  }
0xc2: {  	s0 =	sadd.s32 $0x8F2B, s0  }
0xc3: {  	[sflag:s0] =	ssyncadd.remote.s32 $0x1  }
0xc4: {  	_ =	sfence.sel $0xFFFF  }
0xc5: {  	[dreg:$0x0] =	wrdreg $0xFFFFFFFF;
	(pc) =	sbr.abs _section_cstart, $3  }
0xc6: {  	[dreg:$0x1] =	wrdreg $0xFFFFFFFF  }
0xc7: {  	_ =	task.clear_ibuf [dreg:s8], $0x2FFFF;
	_ =	strace $0x9FFFFFFF  }
0xc8: {  	(tm) =	ssettm $0x7FFFFFFF  }
0xc9: {  	_ =	shalt  }
tec
execute0_lowered:
.L_overlay_start_1:
0x0: {  	(tag) =	ssettag $0x1  }
0x1: {  	s1 =	srdreg.scid;
	s0 =	stileid.u32  }
0x2: {  	s3 =	rddreg [dreg:$0x0];
	s5 =	sand.u32 $0x1, s1;
	s2 =	sshll.u32 s0, $0x1  }
0x3: {  	s4 =	rddreg [dreg:$0x1];
	s6 =	sor.u32 s5, s2  }
0x4: {  	s2 =	simm.s32 $0x0;
	s5 =	ssub.s32 $0x2, s5;
	s7 =	smul.u32 $0x272, s6  }
0x5: {  	[smem:$0x7FF] =	sst s2;
	s8 =	sshrl.u32 s5, $0x1;
	s6 =	smul.u32 $0x500, s6  }
0x6: {  	s1 =	rddreg [dreg:$0x2];
	_ =	strace $0x80000047;
	s5 =	ssub.s32 s5, s8  }
0x7: {  	s8 =	simm.s32 $0x0;
	s3 =	sadd.s32 s3, s7;
	s4 =	sadd.s32 s4, s6  }
0x8: {  	v0 =	vimm.f32 $0.0e+00;
	v1 =	vimm.f32 $1.000000000e+00;
	s5 =	smax.u32 s5, $0x1;
	s6 =	simm.s32 $0x1;
	s7 =	simm.s32 $0x1390  }
.LBB2_1:
0x9: {  	s9 =	simm.s32 $0x40;
	s10 =	simm.s32 $0x0  }
.LBB2_2:
0xa: {  	p0 =	sne.s32 s9, $0x9FC0;
	[tilespmem:s10+$0x1390] =	vst v0;
	s10 =	smov.u32 s9;
	s9 =	sadd.s32 $0x40, s9  }
.Ltmp0:
0xb: {  	(pc) =	sbr.rel @p0 .LBB2_2-.Ltmp0, $2  }
0xc: {  	_ =	sdelay $0x2  }
0xd: {  	s10 =	sshra.s32 s10, $0x2  }
0xe: {  	[tilespmem:s10+$0x1390] =	vst v0;
	s9 =	simm.s32 $0x0  }
0xf: {  	[tilespmem:s9], [sflag:$0x1] =	stream.linear.gather [hbm4b:s3+s9], $0x1390, $0x38;
	[tilespmem:$0x3B90] =	vst v63  }
0x10: {  	_ =	swait.ge [sflag:s6], $0x1390  }
0x11: {  	[sflag:s6] =	ssyncset.done $0x0  }
0x12: {  	s10 =	simm.s32 $0x0;
	s9 =	simm.s32 $0x40;
	[sflag:s6] =	ssyncadd.s32 $0xFFFFEC70  }
.LBB2_4:
0x13: {  	p0 =	sne.s32 s9, $0x4E00;
	v2 =	vld [tilespmem:s10+$0x0];
	_ =	sdelay $0x3  }
.Ltmp1:
0x14: {  	(pc) =	sbr.rel @p0 .LBB2_4-.Ltmp1, $2  }
0x15: {  	_ =	sdelay $0x2  }
0x16: {  	s10 =	sshra.s32 s9, $0x2;
	s9 =	sadd.s32 $0x40, s9;
	[tilespmem:v2+s7+$0x0] =	vst.idx.add.f32.msk $0xffff, v1  }
0x17: {  	v2 =	vld [tilespmem:s10+$0x0];
	_ =	sdelay $0x5  }
0x18: {  	s8 =	sadd.s32 $0x1, s8  }
0x19: {  	p0 =	sne.s32 s8, s5  }
.Ltmp2:
0x1a: {  	[tilespmem:v2+s7+$0x0] =	vst.idx.add.f32.msk $0xffff, v1;
	(pc) =	sbr.rel @p0 .LBB2_1-.Ltmp2, $4  }
0x1b: {  	[hbm4b:s4+s2] =	stream.linear.scatter [tilespmem:s7], [sflag:$0x1], $0x2800, $0x38;
	[tilespmem:$0x3B90] =	vst v63  }
0x1c: {  	_ =	swait.ge [sflag:s6], $0x2800  }
0x1d: {  	[sflag:s6] =	ssyncset.done $0x0  }
0x1e: {  	[sflag:s6] =	ssyncadd.s32 $0xFFFFD800  }
0x1f: {  	_ =	sfence.sel $0x180000  }
0x20: {  	[bflag:$0x0] =	sbarrier.arrive $0xFFFF  }
0x21: {  	p0 =	sne.s32 s0, $0x0;
	_ =	strace $0x90000047  }
0x22: {  	s0 =	sadd.s32 @!p0 $0x100000, s1;
	[bflag:$0x2] =	sbarrier.arrive $0xFFFF  }
0x23: {  	[sflag:s0] =	ssyncadd.tile.s32 @!p0 $0x1;
	_ =	shalt  }
.Lfunc_end2:
_tile_overlayer_lowered:
.L_overlay_start_2:
0x24: {  	(tag) =	ssettag $0x2  }
0x25: {  	s0 =	rddreg [dreg:$0x0];
	s2 =	stileid.u32  }
0x26: {  	s1 =	rddreg [dreg:$0x1];
	p0 =	sne.s32 s2, $0x0  }
0x27: {  	s3 =	rddreg [dreg:$0x2];
	[bflag:$0x3] =	sbarrier.arrive $0xFFFF;
	s2 =	simm.s32 @!p0 $0x1C01  }
0x28: {  	[timem:s3], [sflag:s2] =	dma.local @!p0 [hbm:s0], s1  }
0x29: {  	s0 =	simm.s32 @!p0 $0x1  }
0x2a: {  	_ =	swait.ge @!p0 [sflag:s0], s1  }
0x2b: {  	s1 =	ssub.s32 @!p0 $0x0, s1;
	[sflag:s0] =	ssyncset.done @!p0 $0x0  }
0x2c: {  	[sflag:s0] =	ssyncadd.s32 @!p0 s1  }
0x2d: {  	[bflag:$0x3] =	sbarrier.arrive $0xFFFF  }
0x2e: {  	_ =	shalt  }

</sc_bundles>
